<compile_context>
chip_gen: v7x
topology: tpu7x:2x2x1
jax: 0.10.2.dev20260603
libtpu: 0.0.44.dev20260713+nightly
codegen_flags: <defaults>
</compile_context>

<pallas_src>
import functools

import jax
import jax.numpy as jnp
from jax import lax
from jax.experimental import pallas as pl
from jax.experimental.pallas import tpu as pltpu
from jax.experimental.pallas import tpu_sc as plsc


def _mlp_body(f_ref, w1_ref, b1_ref, w2_ref, b2_ref, o_ref):
    h = jnp.dot(f_ref[...], w1_ref[...], preferred_element_type=jnp.float32)
    h = h + b1_ref[...]
    h = h * jax.nn.sigmoid(h)
    nw = jnp.dot(h, w2_ref[...], preferred_element_type=jnp.float32)
    o_ref[...] = nw + b2_ref[...]


def _node_mlp(features, W1, b1, W2, b2):
    n = features.shape[0]
    return pl.pallas_call(
        _mlp_body,
        out_shape=jax.ShapeDtypeStruct((n, 1), jnp.float32),
    )(features, W1, b1.reshape(1, -1), W2, b2.reshape(1, 1))


def _sc_gather_multiply(node_weight, src_idx, attr2d):
    n = node_weight.shape[0]
    e, f = attr2d.shape
    info = plsc.get_sparse_core_info()
    nc, ns, L = info.num_cores, info.num_subcores, info.num_lanes
    n_workers = nc * ns
    e_per_w = e // n_workers
    assert e == e_per_w * n_workers and e_per_w % L == 0
    NBUF = 2
    B = 200
    NBLK = e_per_w // B
    G = NBLK // NBUF
    assert NBLK == G * NBUF and G >= 3
    CH = f // L

    mesh = plsc.VectorSubcoreMesh(core_axis_name="c", subcore_axis_name="s")

    @functools.partial(
        pl.kernel,
        out_type=jax.ShapeDtypeStruct((e, f), jnp.float32),
        mesh=mesh,
        compiler_params=pltpu.CompilerParams(needs_layout_passes=False),
        scratch_types=(
            [pltpu.VMEM((n,), jnp.float32)]
            + [pltpu.VMEM((e_per_w,), jnp.int32)]
            + [pltpu.VMEM((B, f), jnp.float32) for _ in range(2 * NBUF)]
            + [pltpu.SemaphoreType.DMA for _ in range(2 * NBUF)]
        ),
    )
    def k(nw_hbm, idx_hbm, attr_hbm, out_hbm, table_v, idxw_v, *bufs_and_sems):
        ibufs = bufs_and_sems[:NBUF]
        obufs = bufs_and_sems[NBUF:2 * NBUF]
        isems = bufs_and_sems[2 * NBUF:3 * NBUF]
        osems = bufs_and_sems[3 * NBUF:]

        wid = lax.axis_index("s") * nc + lax.axis_index("c")
        base = wid * e_per_w

        def start_in(j, blk):
            pltpu.async_copy(
                attr_hbm.at[pl.ds(base + blk * B, B), :], ibufs[j], isems[j])

        def wait_in(j, blk):
            pltpu.make_async_copy(
                attr_hbm.at[pl.ds(base + blk * B, B), :], ibufs[j],
                isems[j]).wait()

        def start_out(j, blk):
            pltpu.async_copy(
                obufs[j], out_hbm.at[pl.ds(base + blk * B, B), :], osems[j])

        def wait_out(j, blk):
            pltpu.make_async_copy(
                obufs[j], out_hbm.at[pl.ds(base + blk * B, B), :],
                osems[j]).wait()

        for j in range(NBUF):
            start_in(j, j)

        pltpu.sync_copy(nw_hbm, table_v)
        pltpu.sync_copy(idx_hbm.at[pl.ds(base, e_per_w)], idxw_v)

        @plsc.parallel_loop(0, e_per_w // L, unroll=4)
        def _(i):
            off = i * L
            idx16 = idxw_v[pl.ds(off, L)]
            wv = plsc.load_gather(table_v, [idx16])
            idxw_v[pl.ds(off, L)] = plsc.bitcast(wv, jnp.int32)

        def compute(j, blk):
            ibuf, obuf = ibufs[j], obufs[j]
            boff = blk * B

            @plsc.parallel_loop(0, B, unroll=2)
            def _(ei):
                g16 = (ei >> 4) << 4
                w16 = plsc.bitcast(idxw_v[pl.ds(boff + g16, L)], jnp.float32)
                ws = lax.gather(
                    w16, jnp.full((L, 1), ei & 15, jnp.int32),
                    dimension_numbers=lax.GatherDimensionNumbers(
                        offset_dims=(), collapsed_slice_dims=(0,),
                        start_index_map=(0,)),
                    slice_sizes=(1,),
                    mode=lax.GatherScatterMode.PROMISE_IN_BOUNDS)
                for c in range(CH):
                    sl = pl.ds(c * L, L)
                    obuf[ei, sl] = ibuf[ei, sl] * ws

        for j in range(NBUF):
            wait_in(j, j)
            compute(j, j)
            start_out(j, j)
            start_in(j, j + NBUF)

        def outer(gg, carry):
            for j in range(NBUF):
                blk = gg * NBUF + j
                wait_in(j, blk)
                wait_out(j, blk - NBUF)
                compute(j, blk)
                start_out(j, blk)
                start_in(j, blk + NBUF)
            return carry

        lax.fori_loop(1, G - 1, outer, 0)

        for j in range(NBUF):
            blk = (G - 1) * NBUF + j
            wait_in(j, blk)
            wait_out(j, blk - NBUF)
            compute(j, blk)
            start_out(j, blk)
        for j in range(NBUF):
            wait_out(j, (G - 1) * NBUF + j)

    return k(node_weight, src_idx, attr2d)


def _tc_sweep(attr2d):
    e, f = attr2d.shape
    be = 8000
    return pl.pallas_call(
        lambda a_ref, o_ref: o_ref.__setitem__((...,), a_ref[pl.ds(0, 8), :]),
        grid=(e // be,),
        in_specs=[pl.BlockSpec((be, f), lambda i: (i, 0))],
        out_specs=pl.BlockSpec((8, f), lambda i: (0, 0)),
        out_shape=jax.ShapeDtypeStruct((8, f), jnp.float32),
    )(attr2d)


@jax.jit
def kernel(node_feat, edge_attri, edge_index, W1, b1, W2, b2):
    n_nodes = node_feat.shape[0]
    n_edges = edge_index.shape[1]
    features = node_feat.reshape(n_nodes, -1)
    attr2d = edge_attri.reshape(n_edges, -1)
    src_idx = edge_index[0].astype(jnp.int32)

    node_weight = _node_mlp(features, W1, b1, W2, b2)
    sweep = _tc_sweep(attr2d)
    out2d = _sc_gather_multiply(node_weight.reshape(n_nodes), src_idx, attr2d)
    out2d, _ = lax.optimization_barrier((out2d, sweep))
    return out2d.reshape(edge_attri.shape)

# --- scband reference (transcript-rebuilt; emitter-appended) ---
"""Pipeline reference for scband-message-bchi-37160057045395 (READ-ONLY COPY).

The authoritative reference and input builder live on the scoring server;
editing this copy changes nothing except your own understanding.
"""

import jax, jax.numpy as jnp
import numpy as np

N_NODES = 10000
N_EDGES = 320000
R, A, C = 8, 4, 4
N_IN = R * A * C
N_HIDDEN = 128


def setup_inputs(seed: int = 0) -> dict:
    key = jax.random.key(seed)
    k1, k2, k3, k4, k5 = jax.random.split(key, 5)
    node_feat = jax.random.normal(k1, (N_NODES, R, A, C), dtype=jnp.float32)
    edge_attri = jax.random.normal(k2, (N_EDGES, R, A, C), dtype=jnp.float32)
    edge_index = jax.random.randint(k3, (2, N_EDGES), 0, N_NODES, dtype=jnp.int64)
    # MLP (hnet) parameters: Linear(n_in -> n_hidden), SiLU, Linear(n_hidden -> 1)
    W1 = jax.random.normal(k4, (N_IN, N_HIDDEN), dtype=jnp.float32) * (1.0 / np.sqrt(N_IN))
    b1 = jnp.zeros((N_HIDDEN,), dtype=jnp.float32)
    W2 = jax.random.normal(k5, (N_HIDDEN, 1), dtype=jnp.float32) * (1.0 / np.sqrt(N_HIDDEN))
    b2 = jnp.zeros((1,), dtype=jnp.float32)
    return {"node_feat": node_feat, "edge_attri": edge_attri, "edge_index": edge_index,
            "W1": W1, "b1": b1, "W2": W2, "b2": b2}


def reference(node_feat, edge_attri, edge_index, W1, b1, W2, b2):
    n_nodes = node_feat.shape[0]
    n_edges = edge_index.shape[1]
    features = node_feat.reshape(n_nodes, -1)
    # hnet MLP: same h function shared across l channels, output dim 1
    h = jax.nn.silu(features @ W1 + b1)
    node_weight = h @ W2 + b2  # [n_nodes, 1]
    # gather per-edge weights from source nodes (SparseCore gather)
    edge_weight = jnp.take(node_weight, edge_index[0], axis=0)  # [n_edges, 1]
    # einsum('ijlk,ijlk->ijlk', edge_attri, edge_weight_broadcast) == elementwise product
    message = edge_attri * edge_weight.reshape(n_edges, 1, 1, 1)
    return message

if __name__ == "__main__":
    import jax
    _d = setup_inputs()
    print(jax.jit(kernel)(*tuple(_d.values())))

</pallas_src>

<mosaic_0001>
#map = affine_map<(d0, d1) -> (0)>
#map1 = affine_map<(d0, d1) -> (0, 0)>
module attributes {stable_mosaic.version = 14 : i64} {
  func.func @k(%arg0: i32, %arg1: i32, %arg2: memref<10000xf32, #tpu.memory_space<hbm>>, %arg3: memref<320000xi32, #tpu.memory_space<hbm>>, %arg4: memref<320000x128xf32, #tpu.memory_space<hbm>>, %arg5: memref<320000x128xf32, #tpu.memory_space<hbm>>, %arg6: memref<10000xf32, #tpu.memory_space<vmem>>, %arg7: memref<10000xi32, #tpu.memory_space<vmem>>, %arg8: memref<200x128xf32, #tpu.memory_space<vmem>>, %arg9: memref<200x128xf32, #tpu.memory_space<vmem>>, %arg10: memref<200x128xf32, #tpu.memory_space<vmem>>, %arg11: memref<200x128xf32, #tpu.memory_space<vmem>>, %arg12: memref<!tpu.dma_semaphore, #tpu.memory_space<semaphore_mem>>, %arg13: memref<!tpu.dma_semaphore, #tpu.memory_space<semaphore_mem>>, %arg14: memref<!tpu.dma_semaphore, #tpu.memory_space<semaphore_mem>>, %arg15: memref<!tpu.dma_semaphore, #tpu.memory_space<semaphore_mem>>) attributes {dimension_semantics = [#tpu.dimension_semantics<core_parallel>, #tpu.dimension_semantics<subcore_parallel>], iteration_bounds = array<i64: 2, 16>, scalar_prefetch = 0 : i64, scratch_operands = 10 : i64, tpu.core_type = #tpu.core_type<sc_vector_subcore>, window_params = [{transform_indices = #map}, {transform_indices = #map}, {transform_indices = #map1}, {transform_indices = #map1}]} {
    %mul3A = arith.constant 2 : i32
    %mul3A_0 = arith.muli %arg1, %mul3A : i32
    %add3A = arith.addi %mul3A_0, %arg0 : i32
    %mul3A_1 = arith.constant 10000 : i32
    %mul3A_2 = arith.muli %add3A, %mul3A_1 : i32
    %add3A_3 = arith.constant 0 : i32
    %add3A_4 = arith.addi %mul3A_2, %add3A_3 : i32
    %dma_start3A = arith.constant 0 : i32
    %dma_start3A_5 = tpu.memref_slice %arg4[%add3A_4, %dma_start3A] : memref<320000x128xf32, #tpu.memory_space<hbm>> -> memref<200x128xf32, #tpu.memory_space<hbm>>
    %dma_start3A_6 = arith.constant 0 : i32
    %dma_start3A_7 = tpu.memref_slice %arg4[%add3A_4, %dma_start3A_6] : memref<320000x128xf32, #tpu.memory_space<hbm>> -> memref<200x128xf32, #tpu.memory_space<hbm>>
    tpu.enqueue_dma source(%dma_start3A_7 : memref<200x128xf32, #tpu.memory_space<hbm>>) target(%arg8 : memref<200x128xf32, #tpu.memory_space<vmem>>) target_semaphore(%arg12 : memref<!tpu.dma_semaphore, #tpu.memory_space<semaphore_mem>>)
    %add3A_8 = arith.constant 200 : i32
    %add3A_9 = arith.addi %mul3A_2, %add3A_8 : i32
    %dma_start3A_10 = arith.constant 0 : i32
    %dma_start3A_11 = tpu.memref_slice %arg4[%add3A_9, %dma_start3A_10] : memref<320000x128xf32, #tpu.memory_space<hbm>> -> memref<200x128xf32, #tpu.memory_space<hbm>>
    %dma_start3A_12 = arith.constant 0 : i32
    %dma_start3A_13 = tpu.memref_slice %arg4[%add3A_9, %dma_start3A_12] : memref<320000x128xf32, #tpu.memory_space<hbm>> -> memref<200x128xf32, #tpu.memory_space<hbm>>
    tpu.enqueue_dma source(%dma_start3A_13 : memref<200x128xf32, #tpu.memory_space<hbm>>) target(%arg9 : memref<200x128xf32, #tpu.memory_space<vmem>>) target_semaphore(%arg13 : memref<!tpu.dma_semaphore, #tpu.memory_space<semaphore_mem>>)
    "tpu.region"() ({
      %run_scoped3A = tpu.sem_alloc : memref<!tpu.dma_semaphore, #tpu.memory_space<semaphore_mem>>
      tpu.enqueue_dma source(%arg2 : memref<10000xf32, #tpu.memory_space<hbm>>) target(%arg6 : memref<10000xf32, #tpu.memory_space<vmem>>) target_semaphore(%run_scoped3A : memref<!tpu.dma_semaphore, #tpu.memory_space<semaphore_mem>>)
      tpu.wait_dma2 semaphore(%run_scoped3A : memref<!tpu.dma_semaphore, #tpu.memory_space<semaphore_mem>>) src(%arg2 : memref<10000xf32, #tpu.memory_space<hbm>>) dst(%arg6 : memref<10000xf32, #tpu.memory_space<vmem>>)
      tpu.yield
    }) : () -> ()
    "tpu.region"() ({
      %run_scoped3A = tpu.sem_alloc : memref<!tpu.dma_semaphore, #tpu.memory_space<semaphore_mem>>
      %dma_start3A_116 = tpu.memref_slice %arg3[%mul3A_2] : memref<320000xi32, #tpu.memory_space<hbm>> -> memref<10000xi32, #tpu.memory_space<hbm>>
      %dma_start3A_117 = tpu.memref_slice %arg3[%mul3A_2] : memref<320000xi32, #tpu.memory_space<hbm>> -> memref<10000xi32, #tpu.memory_space<hbm>>
      tpu.enqueue_dma source(%dma_start3A_117 : memref<10000xi32, #tpu.memory_space<hbm>>) target(%arg7 : memref<10000xi32, #tpu.memory_space<vmem>>) target_semaphore(%run_scoped3A : memref<!tpu.dma_semaphore, #tpu.memory_space<semaphore_mem>>)
      %dma_wait3A_118 = tpu.memref_slice %arg3[%mul3A_2] : memref<320000xi32, #tpu.memory_space<hbm>> -> memref<10000xi32, #tpu.memory_space<hbm>>
      %dma_wait3A_119 = tpu.memref_slice %arg3[%mul3A_2] : memref<320000xi32, #tpu.memory_space<hbm>> -> memref<10000xi32, #tpu.memory_space<hbm>>
      tpu.wait_dma2 semaphore(%run_scoped3A : memref<!tpu.dma_semaphore, #tpu.memory_space<semaphore_mem>>) src(%dma_wait3A_119 : memref<10000xi32, #tpu.memory_space<hbm>>) dst(%arg7 : memref<10000xi32, #tpu.memory_space<vmem>>)
      tpu.yield
    }) : () -> ()
    %parallel_loop3A = arith.constant 0 : i32
    %parallel_loop3A_14 = arith.constant 625 : i32
    %parallel_loop3A_15 = arith.constant 1 : i32
    scf.for %parallel_loop3A_116 = %parallel_loop3A to %parallel_loop3A_14 step %parallel_loop3A_15  : i32 {
      %parallel_loop3A_117 = arith.constant 16 : i32
      %parallel_loop3A_118 = arith.muli %parallel_loop3A_116, %parallel_loop3A_117 : i32
      %parallel_loop3A_119 = arith.index_cast %parallel_loop3A_118 : i32 to index
      %parallel_loop3A_120 = tpu.vector_load %arg7[%parallel_loop3A_119] {strides = array<i32>} : memref<10000xi32, #tpu.memory_space<vmem>>, vector<16xi32>,
      %parallel_loop3A_121 = tpu.vector_load_idx %arg6[%parallel_loop3A_120] : memref<10000xf32, #tpu.memory_space<vmem>>[vector<16xi32>], vector<16xf32>,
      %parallel_loop3A_122 = vector.bitcast %parallel_loop3A_121 : vector<16xf32> to vector<16xi32>
      %parallel_loop3A_123 = arith.index_cast %parallel_loop3A_118 : i32 to index
      %parallel_loop3A_124 = tpu.vector_load %arg7[%parallel_loop3A_123] {strides = array<i32>} : memref<10000xi32, #tpu.memory_space<vmem>>, vector<16xi32>,
      tpu.vector_store %arg7[%parallel_loop3A_123], %parallel_loop3A_122 {strides = array<i32>} : memref<10000xi32, #tpu.memory_space<vmem>>, vector<16xi32>,
    } {sc.loop_unroll_factor = 4 : i64, sc.parallel_access}
    %add3A_16 = arith.constant 0 : i32
    %add3A_17 = arith.addi %mul3A_2, %add3A_16 : i32
    %dma_wait3A = arith.constant 0 : i32
    %dma_wait3A_18 = tpu.memref_slice %arg4[%add3A_17, %dma_wait3A] : memref<320000x128xf32, #tpu.memory_space<hbm>> -> memref<200x128xf32, #tpu.memory_space<hbm>>
    %dma_wait3A_19 = arith.constant 0 : i32
    %dma_wait3A_20 = tpu.memref_slice %arg4[%add3A_17, %dma_wait3A_19] : memref<320000x128xf32, #tpu.memory_space<hbm>> -> memref<200x128xf32, #tpu.memory_space<hbm>>
    tpu.wait_dma2 semaphore(%arg12 : memref<!tpu.dma_semaphore, #tpu.memory_space<semaphore_mem>>) src(%dma_wait3A_20 : memref<200x128xf32, #tpu.memory_space<hbm>>) dst(%arg8 : memref<200x128xf32, #tpu.memory_space<vmem>>)
    %parallel_loop3A_21 = arith.constant 0 : i32
    %parallel_loop3A_22 = arith.constant 200 : i32
    %parallel_loop3A_23 = arith.constant 1 : i32
    scf.for %parallel_loop3A_116 = %parallel_loop3A_21 to %parallel_loop3A_22 step %parallel_loop3A_23  : i32 {
      %parallel_loop3A_117 = arith.constant 4 : i32
      %parallel_loop3A_118 = arith.shrsi %parallel_loop3A_116, %parallel_loop3A_117 : i32
      %parallel_loop3A_119 = arith.constant 4 : i32
      %parallel_loop3A_120 = arith.shli %parallel_loop3A_118, %parallel_loop3A_119 : i32
      %parallel_loop3A_121 = arith.constant 0 : i32
      %parallel_loop3A_122 = arith.addi %parallel_loop3A_121, %parallel_loop3A_120 : i32
      %parallel_loop3A_123 = arith.index_cast %parallel_loop3A_122 : i32 to index
      %parallel_loop3A_124 = tpu.vector_load %arg7[%parallel_loop3A_123] {strides = array<i32>} : memref<10000xi32, #tpu.memory_space<vmem>>, vector<16xi32>,
      %parallel_loop3A_125 = vector.bitcast %parallel_loop3A_124 : vector<16xi32> to vector<16xf32>
      %parallel_loop3A_126 = arith.constant 15 : i32
      %parallel_loop3A_127 = arith.andi %parallel_loop3A_116, %parallel_loop3A_126 : i32
      %parallel_loop3A_128 = vector.broadcast %parallel_loop3A_127 : i32 to vector<16x1xi32>
      %parallel_loop3A_129 = vector.shape_cast %parallel_loop3A_128 : vector<16x1xi32> to vector<16xi32>
      %parallel_loop3A_130 = tpu.dynamic_gather %parallel_loop3A_125[%parallel_loop3A_129] in [0] : vector<16xf32>, vector<16xi32> -> vector<16xf32>
      %parallel_loop3A_131 = arith.index_cast %parallel_loop3A_116 : i32 to index
      %parallel_loop3A_132 = arith.constant 0 : index
      %parallel_loop3A_133 = tpu.vector_load %arg8[%parallel_loop3A_131, %parallel_loop3A_132] {strides = array<i32>} : memref<200x128xf32, #tpu.memory_space<vmem>>, vector<16xf32>,
      %parallel_loop3A_134 = arith.mulf %parallel_loop3A_133, %parallel_loop3A_130 : vector<16xf32>
      %parallel_loop3A_135 = arith.index_cast %parallel_loop3A_116 : i32 to index
      %parallel_loop3A_136 = arith.constant 0 : index
      %parallel_loop3A_137 = tpu.vector_load %arg10[%parallel_loop3A_135, %parallel_loop3A_136] {strides = array<i32>} : memref<200x128xf32, #tpu.memory_space<vmem>>, vector<16xf32>,
      tpu.vector_store %arg10[%parallel_loop3A_135, %parallel_loop3A_136], %parallel_loop3A_134 {strides = array<i32>} : memref<200x128xf32, #tpu.memory_space<vmem>>, vector<16xf32>,
      %parallel_loop3A_138 = arith.index_cast %parallel_loop3A_116 : i32 to index
      %parallel_loop3A_139 = arith.constant 16 : index
      %parallel_loop3A_140 = tpu.vector_load %arg8[%parallel_loop3A_138, %parallel_loop3A_139] {strides = array<i32>} : memref<200x128xf32, #tpu.memory_space<vmem>>, vector<16xf32>,
      %parallel_loop3A_141 = arith.mulf %parallel_loop3A_140, %parallel_loop3A_130 : vector<16xf32>
      %parallel_loop3A_142 = arith.index_cast %parallel_loop3A_116 : i32 to index
      %parallel_loop3A_143 = arith.constant 16 : index
      %parallel_loop3A_144 = tpu.vector_load %arg10[%parallel_loop3A_142, %parallel_loop3A_143] {strides = array<i32>} : memref<200x128xf32, #tpu.memory_space<vmem>>, vector<16xf32>,
      tpu.vector_store %arg10[%parallel_loop3A_142, %parallel_loop3A_143], %parallel_loop3A_141 {strides = array<i32>} : memref<200x128xf32, #tpu.memory_space<vmem>>, vector<16xf32>,
      %parallel_loop3A_145 = arith.index_cast %parallel_loop3A_116 : i32 to index
      %parallel_loop3A_146 = arith.constant 32 : index
      %parallel_loop3A_147 = tpu.vector_load %arg8[%parallel_loop3A_145, %parallel_loop3A_146] {strides = array<i32>} : memref<200x128xf32, #tpu.memory_space<vmem>>, vector<16xf32>,
      %parallel_loop3A_148 = arith.mulf %parallel_loop3A_147, %parallel_loop3A_130 : vector<16xf32>
      %parallel_loop3A_149 = arith.index_cast %parallel_loop3A_116 : i32 to index
      %parallel_loop3A_150 = arith.constant 32 : index
      %parallel_loop3A_151 = tpu.vector_load %arg10[%parallel_loop3A_149, %parallel_loop3A_150] {strides = array<i32>} : memref<200x128xf32, #tpu.memory_space<vmem>>, vector<16xf32>,
      tpu.vector_store %arg10[%parallel_loop3A_149, %parallel_loop3A_150], %parallel_loop3A_148 {strides = array<i32>} : memref<200x128xf32, #tpu.memory_space<vmem>>, vector<16xf32>,
      %parallel_loop3A_152 = arith.index_cast %parallel_loop3A_116 : i32 to index
      %parallel_loop3A_153 = arith.constant 48 : index
      %parallel_loop3A_154 = tpu.vector_load %arg8[%parallel_loop3A_152, %parallel_loop3A_153] {strides = array<i32>} : memref<200x128xf32, #tpu.memory_space<vmem>>, vector<16xf32>,
      %parallel_loop3A_155 = arith.mulf %parallel_loop3A_154, %parallel_loop3A_130 : vector<16xf32>
      %parallel_loop3A_156 = arith.index_cast %parallel_loop3A_116 : i32 to index
      %parallel_loop3A_157 = arith.constant 48 : index
      %parallel_loop3A_158 = tpu.vector_load %arg10[%parallel_loop3A_156, %parallel_loop3A_157] {strides = array<i32>} : memref<200x128xf32, #tpu.memory_space<vmem>>, vector<16xf32>,
      tpu.vector_store %arg10[%parallel_loop3A_156, %parallel_loop3A_157], %parallel_loop3A_155 {strides = array<i32>} : memref<200x128xf32, #tpu.memory_space<vmem>>, vector<16xf32>,
      %parallel_loop3A_159 = arith.index_cast %parallel_loop3A_116 : i32 to index
      %parallel_loop3A_160 = arith.constant 64 : index
      %parallel_loop3A_161 = tpu.vector_load %arg8[%parallel_loop3A_159, %parallel_loop3A_160] {strides = array<i32>} : memref<200x128xf32, #tpu.memory_space<vmem>>, vector<16xf32>,
      %parallel_loop3A_162 = arith.mulf %parallel_loop3A_161, %parallel_loop3A_130 : vector<16xf32>
      %parallel_loop3A_163 = arith.index_cast %parallel_loop3A_116 : i32 to index
      %parallel_loop3A_164 = arith.constant 64 : index
      %parallel_loop3A_165 = tpu.vector_load %arg10[%parallel_loop3A_163, %parallel_loop3A_164] {strides = array<i32>} : memref<200x128xf32, #tpu.memory_space<vmem>>, vector<16xf32>,
      tpu.vector_store %arg10[%parallel_loop3A_163, %parallel_loop3A_164], %parallel_loop3A_162 {strides = array<i32>} : memref<200x128xf32, #tpu.memory_space<vmem>>, vector<16xf32>,
      %parallel_loop3A_166 = arith.index_cast %parallel_loop3A_116 : i32 to index
      %parallel_loop3A_167 = arith.constant 80 : index
      %parallel_loop3A_168 = tpu.vector_load %arg8[%parallel_loop3A_166, %parallel_loop3A_167] {strides = array<i32>} : memref<200x128xf32, #tpu.memory_space<vmem>>, vector<16xf32>,
      %parallel_loop3A_169 = arith.mulf %parallel_loop3A_168, %parallel_loop3A_130 : vector<16xf32>
      %parallel_loop3A_170 = arith.index_cast %parallel_loop3A_116 : i32 to index
      %parallel_loop3A_171 = arith.constant 80 : index
      %parallel_loop3A_172 = tpu.vector_load %arg10[%parallel_loop3A_170, %parallel_loop3A_171] {strides = array<i32>} : memref<200x128xf32, #tpu.memory_space<vmem>>, vector<16xf32>,
      tpu.vector_store %arg10[%parallel_loop3A_170, %parallel_loop3A_171], %parallel_loop3A_169 {strides = array<i32>} : memref<200x128xf32, #tpu.memory_space<vmem>>, vector<16xf32>,
      %parallel_loop3A_173 = arith.index_cast %parallel_loop3A_116 : i32 to index
      %parallel_loop3A_174 = arith.constant 96 : index
      %parallel_loop3A_175 = tpu.vector_load %arg8[%parallel_loop3A_173, %parallel_loop3A_174] {strides = array<i32>} : memref<200x128xf32, #tpu.memory_space<vmem>>, vector<16xf32>,
      %parallel_loop3A_176 = arith.mulf %parallel_loop3A_175, %parallel_loop3A_130 : vector<16xf32>
      %parallel_loop3A_177 = arith.index_cast %parallel_loop3A_116 : i32 to index
      %parallel_loop3A_178 = arith.constant 96 : index
      %parallel_loop3A_179 = tpu.vector_load %arg10[%parallel_loop3A_177, %parallel_loop3A_178] {strides = array<i32>} : memref<200x128xf32, #tpu.memory_space<vmem>>, vector<16xf32>,
      tpu.vector_store %arg10[%parallel_loop3A_177, %parallel_loop3A_178], %parallel_loop3A_176 {strides = array<i32>} : memref<200x128xf32, #tpu.memory_space<vmem>>, vector<16xf32>,
      %parallel_loop3A_180 = arith.index_cast %parallel_loop3A_116 : i32 to index
      %parallel_loop3A_181 = arith.constant 112 : index
      %parallel_loop3A_182 = tpu.vector_load %arg8[%parallel_loop3A_180, %parallel_loop3A_181] {strides = array<i32>} : memref<200x128xf32, #tpu.memory_space<vmem>>, vector<16xf32>,
      %parallel_loop3A_183 = arith.mulf %parallel_loop3A_182, %parallel_loop3A_130 : vector<16xf32>
      %parallel_loop3A_184 = arith.index_cast %parallel_loop3A_116 : i32 to index
      %parallel_loop3A_185 = arith.constant 112 : index
      %parallel_loop3A_186 = tpu.vector_load %arg10[%parallel_loop3A_184, %parallel_loop3A_185] {strides = array<i32>} : memref<200x128xf32, #tpu.memory_space<vmem>>, vector<16xf32>,
      tpu.vector_store %arg10[%parallel_loop3A_184, %parallel_loop3A_185], %parallel_loop3A_183 {strides = array<i32>} : memref<200x128xf32, #tpu.memory_space<vmem>>, vector<16xf32>,
    } {sc.loop_unroll_factor = 2 : i64, sc.parallel_access}
    %add3A_24 = arith.constant 0 : i32
    %add3A_25 = arith.addi %mul3A_2, %add3A_24 : i32
    %dma_start3A_26 = arith.constant 0 : i32
    %dma_start3A_27 = tpu.memref_slice %arg5[%add3A_25, %dma_start3A_26] : memref<320000x128xf32, #tpu.memory_space<hbm>> -> memref<200x128xf32, #tpu.memory_space<hbm>>
    %dma_start3A_28 = arith.constant 0 : i32
    %dma_start3A_29 = tpu.memref_slice %arg5[%add3A_25, %dma_start3A_28] : memref<320000x128xf32, #tpu.memory_space<hbm>> -> memref<200x128xf32, #tpu.memory_space<hbm>>
    tpu.enqueue_dma source(%arg10 : memref<200x128xf32, #tpu.memory_space<vmem>>) target(%dma_start3A_29 : memref<200x128xf32, #tpu.memory_space<hbm>>) target_semaphore(%arg14 : memref<!tpu.dma_semaphore, #tpu.memory_space<semaphore_mem>>)
    %add3A_30 = arith.constant 400 : i32
    %add3A_31 = arith.addi %mul3A_2, %add3A_30 : i32
    %dma_start3A_32 = arith.constant 0 : i32
    %dma_start3A_33 = tpu.memref_slice %arg4[%add3A_31, %dma_start3A_32] : memref<320000x128xf32, #tpu.memory_space<hbm>> -> memref<200x128xf32, #tpu.memory_space<hbm>>
    %dma_start3A_34 = arith.constant 0 : i32
    %dma_start3A_35 = tpu.memref_slice %arg4[%add3A_31, %dma_start3A_34] : memref<320000x128xf32, #tpu.memory_space<hbm>> -> memref<200x128xf32, #tpu.memory_space<hbm>>
    tpu.enqueue_dma source(%dma_start3A_35 : memref<200x128xf32, #tpu.memory_space<hbm>>) target(%arg8 : memref<200x128xf32, #tpu.memory_space<vmem>>) target_semaphore(%arg12 : memref<!tpu.dma_semaphore, #tpu.memory_space<semaphore_mem>>)
    %add3A_36 = arith.constant 200 : i32
    %add3A_37 = arith.addi %mul3A_2, %add3A_36 : i32
    %dma_wait3A_38 = arith.constant 0 : i32
    %dma_wait3A_39 = tpu.memref_slice %arg4[%add3A_37, %dma_wait3A_38] : memref<320000x128xf32, #tpu.memory_space<hbm>> -> memref<200x128xf32, #tpu.memory_space<hbm>>
    %dma_wait3A_40 = arith.constant 0 : i32
    %dma_wait3A_41 = tpu.memref_slice %arg4[%add3A_37, %dma_wait3A_40] : memref<320000x128xf32, #tpu.memory_space<hbm>> -> memref<200x128xf32, #tpu.memory_space<hbm>>
    tpu.wait_dma2 semaphore(%arg13 : memref<!tpu.dma_semaphore, #tpu.memory_space<semaphore_mem>>) src(%dma_wait3A_41 : memref<200x128xf32, #tpu.memory_space<hbm>>) dst(%arg9 : memref<200x128xf32, #tpu.memory_space<vmem>>)
    %parallel_loop3A_42 = arith.constant 0 : i32
    %parallel_loop3A_43 = arith.constant 200 : i32
    %parallel_loop3A_44 = arith.constant 1 : i32
    scf.for %parallel_loop3A_116 = %parallel_loop3A_42 to %parallel_loop3A_43 step %parallel_loop3A_44  : i32 {
      %parallel_loop3A_117 = arith.constant 4 : i32
      %parallel_loop3A_118 = arith.shrsi %parallel_loop3A_116, %parallel_loop3A_117 : i32
      %parallel_loop3A_119 = arith.constant 4 : i32
      %parallel_loop3A_120 = arith.shli %parallel_loop3A_118, %parallel_loop3A_119 : i32
      %parallel_loop3A_121 = arith.constant 200 : i32
      %parallel_loop3A_122 = arith.addi %parallel_loop3A_121, %parallel_loop3A_120 : i32
      %parallel_loop3A_123 = arith.index_cast %parallel_loop3A_122 : i32 to index
      %parallel_loop3A_124 = tpu.vector_load %arg7[%parallel_loop3A_123] {strides = array<i32>} : memref<10000xi32, #tpu.memory_space<vmem>>, vector<16xi32>,
      %parallel_loop3A_125 = vector.bitcast %parallel_loop3A_124 : vector<16xi32> to vector<16xf32>
      %parallel_loop3A_126 = arith.constant 15 : i32
      %parallel_loop3A_127 = arith.andi %parallel_loop3A_116, %parallel_loop3A_126 : i32
      %parallel_loop3A_128 = vector.broadcast %parallel_loop3A_127 : i32 to vector<16x1xi32>
      %parallel_loop3A_129 = vector.shape_cast %parallel_loop3A_128 : vector<16x1xi32> to vector<16xi32>
      %parallel_loop3A_130 = tpu.dynamic_gather %parallel_loop3A_125[%parallel_loop3A_129] in [0] : vector<16xf32>, vector<16xi32> -> vector<16xf32>
      %parallel_loop3A_131 = arith.index_cast %parallel_loop3A_116 : i32 to index
      %parallel_loop3A_132 = arith.constant 0 : index
      %parallel_loop3A_133 = tpu.vector_load %arg9[%parallel_loop3A_131, %parallel_loop3A_132] {strides = array<i32>} : memref<200x128xf32, #tpu.memory_space<vmem>>, vector<16xf32>,
      %parallel_loop3A_134 = arith.mulf %parallel_loop3A_133, %parallel_loop3A_130 : vector<16xf32>
      %parallel_loop3A_135 = arith.index_cast %parallel_loop3A_116 : i32 to index
      %parallel_loop3A_136 = arith.constant 0 : index
      %parallel_loop3A_137 = tpu.vector_load %arg11[%parallel_loop3A_135, %parallel_loop3A_136] {strides = array<i32>} : memref<200x128xf32, #tpu.memory_space<vmem>>, vector<16xf32>,
      tpu.vector_store %arg11[%parallel_loop3A_135, %parallel_loop3A_136], %parallel_loop3A_134 {strides = array<i32>} : memref<200x128xf32, #tpu.memory_space<vmem>>, vector<16xf32>,
      %parallel_loop3A_138 = arith.index_cast %parallel_loop3A_116 : i32 to index
      %parallel_loop3A_139 = arith.constant 16 : index
      %parallel_loop3A_140 = tpu.vector_load %arg9[%parallel_loop3A_138, %parallel_loop3A_139] {strides = array<i32>} : memref<200x128xf32, #tpu.memory_space<vmem>>, vector<16xf32>,
      %parallel_loop3A_141 = arith.mulf %parallel_loop3A_140, %parallel_loop3A_130 : vector<16xf32>
      %parallel_loop3A_142 = arith.index_cast %parallel_loop3A_116 : i32 to index
      %parallel_loop3A_143 = arith.constant 16 : index
      %parallel_loop3A_144 = tpu.vector_load %arg11[%parallel_loop3A_142, %parallel_loop3A_143] {strides = array<i32>} : memref<200x128xf32, #tpu.memory_space<vmem>>, vector<16xf32>,
      tpu.vector_store %arg11[%parallel_loop3A_142, %parallel_loop3A_143], %parallel_loop3A_141 {strides = array<i32>} : memref<200x128xf32, #tpu.memory_space<vmem>>, vector<16xf32>,
      %parallel_loop3A_145 = arith.index_cast %parallel_loop3A_116 : i32 to index
      %parallel_loop3A_146 = arith.constant 32 : index
      %parallel_loop3A_147 = tpu.vector_load %arg9[%parallel_loop3A_145, %parallel_loop3A_146] {strides = array<i32>} : memref<200x128xf32, #tpu.memory_space<vmem>>, vector<16xf32>,
      %parallel_loop3A_148 = arith.mulf %parallel_loop3A_147, %parallel_loop3A_130 : vector<16xf32>
      %parallel_loop3A_149 = arith.index_cast %parallel_loop3A_116 : i32 to index
      %parallel_loop3A_150 = arith.constant 32 : index
      %parallel_loop3A_151 = tpu.vector_load %arg11[%parallel_loop3A_149, %parallel_loop3A_150] {strides = array<i32>} : memref<200x128xf32, #tpu.memory_space<vmem>>, vector<16xf32>,
      tpu.vector_store %arg11[%parallel_loop3A_149, %parallel_loop3A_150], %parallel_loop3A_148 {strides = array<i32>} : memref<200x128xf32, #tpu.memory_space<vmem>>, vector<16xf32>,
      %parallel_loop3A_152 = arith.index_cast %parallel_loop3A_116 : i32 to index
      %parallel_loop3A_153 = arith.constant 48 : index
      %parallel_loop3A_154 = tpu.vector_load %arg9[%parallel_loop3A_152, %parallel_loop3A_153] {strides = array<i32>} : memref<200x128xf32, #tpu.memory_space<vmem>>, vector<16xf32>,
      %parallel_loop3A_155 = arith.mulf %parallel_loop3A_154, %parallel_loop3A_130 : vector<16xf32>
      %parallel_loop3A_156 = arith.index_cast %parallel_loop3A_116 : i32 to index
      %parallel_loop3A_157 = arith.constant 48 : index
      %parallel_loop3A_158 = tpu.vector_load %arg11[%parallel_loop3A_156, %parallel_loop3A_157] {strides = array<i32>} : memref<200x128xf32, #tpu.memory_space<vmem>>, vector<16xf32>,
      tpu.vector_store %arg11[%parallel_loop3A_156, %parallel_loop3A_157], %parallel_loop3A_155 {strides = array<i32>} : memref<200x128xf32, #tpu.memory_space<vmem>>, vector<16xf32>,
      %parallel_loop3A_159 = arith.index_cast %parallel_loop3A_116 : i32 to index
      %parallel_loop3A_160 = arith.constant 64 : index
      %parallel_loop3A_161 = tpu.vector_load %arg9[%parallel_loop3A_159, %parallel_loop3A_160] {strides = array<i32>} : memref<200x128xf32, #tpu.memory_space<vmem>>, vector<16xf32>,
      %parallel_loop3A_162 = arith.mulf %parallel_loop3A_161, %parallel_loop3A_130 : vector<16xf32>
      %parallel_loop3A_163 = arith.index_cast %parallel_loop3A_116 : i32 to index
      %parallel_loop3A_164 = arith.constant 64 : index
      %parallel_loop3A_165 = tpu.vector_load %arg11[%parallel_loop3A_163, %parallel_loop3A_164] {strides = array<i32>} : memref<200x128xf32, #tpu.memory_space<vmem>>, vector<16xf32>,
      tpu.vector_store %arg11[%parallel_loop3A_163, %parallel_loop3A_164], %parallel_loop3A_162 {strides = array<i32>} : memref<200x128xf32, #tpu.memory_space<vmem>>, vector<16xf32>,
      %parallel_loop3A_166 = arith.index_cast %parallel_loop3A_116 : i32 to index
      %parallel_loop3A_167 = arith.constant 80 : index
      %parallel_loop3A_168 = tpu.vector_load %arg9[%parallel_loop3A_166, %parallel_loop3A_167] {strides = array<i32>} : memref<200x128xf32, #tpu.memory_space<vmem>>, vector<16xf32>,
      %parallel_loop3A_169 = arith.mulf %parallel_loop3A_168, %parallel_loop3A_130 : vector<16xf32>
      %parallel_loop3A_170 = arith.index_cast %parallel_loop3A_116 : i32 to index
      %parallel_loop3A_171 = arith.constant 80 : index
      %parallel_loop3A_172 = tpu.vector_load %arg11[%parallel_loop3A_170, %parallel_loop3A_171] {strides = array<i32>} : memref<200x128xf32, #tpu.memory_space<vmem>>, vector<16xf32>,
      tpu.vector_store %arg11[%parallel_loop3A_170, %parallel_loop3A_171], %parallel_loop3A_169 {strides = array<i32>} : memref<200x128xf32, #tpu.memory_space<vmem>>, vector<16xf32>,
      %parallel_loop3A_173 = arith.index_cast %parallel_loop3A_116 : i32 to index
      %parallel_loop3A_174 = arith.constant 96 : index
      %parallel_loop3A_175 = tpu.vector_load %arg9[%parallel_loop3A_173, %parallel_loop3A_174] {strides = array<i32>} : memref<200x128xf32, #tpu.memory_space<vmem>>, vector<16xf32>,
      %parallel_loop3A_176 = arith.mulf %parallel_loop3A_175, %parallel_loop3A_130 : vector<16xf32>
      %parallel_loop3A_177 = arith.index_cast %parallel_loop3A_116 : i32 to index
      %parallel_loop3A_178 = arith.constant 96 : index
      %parallel_loop3A_179 = tpu.vector_load %arg11[%parallel_loop3A_177, %parallel_loop3A_178] {strides = array<i32>} : memref<200x128xf32, #tpu.memory_space<vmem>>, vector<16xf32>,
      tpu.vector_store %arg11[%parallel_loop3A_177, %parallel_loop3A_178], %parallel_loop3A_176 {strides = array<i32>} : memref<200x128xf32, #tpu.memory_space<vmem>>, vector<16xf32>,
      %parallel_loop3A_180 = arith.index_cast %parallel_loop3A_116 : i32 to index
      %parallel_loop3A_181 = arith.constant 112 : index
      %parallel_loop3A_182 = tpu.vector_load %arg9[%parallel_loop3A_180, %parallel_loop3A_181] {strides = array<i32>} : memref<200x128xf32, #tpu.memory_space<vmem>>, vector<16xf32>,
      %parallel_loop3A_183 = arith.mulf %parallel_loop3A_182, %parallel_loop3A_130 : vector<16xf32>
      %parallel_loop3A_184 = arith.index_cast %parallel_loop3A_116 : i32 to index
      %parallel_loop3A_185 = arith.constant 112 : index
      %parallel_loop3A_186 = tpu.vector_load %arg11[%parallel_loop3A_184, %parallel_loop3A_185] {strides = array<i32>} : memref<200x128xf32, #tpu.memory_space<vmem>>, vector<16xf32>,
      tpu.vector_store %arg11[%parallel_loop3A_184, %parallel_loop3A_185], %parallel_loop3A_183 {strides = array<i32>} : memref<200x128xf32, #tpu.memory_space<vmem>>, vector<16xf32>,
    } {sc.loop_unroll_factor = 2 : i64, sc.parallel_access}
    %add3A_45 = arith.constant 200 : i32
    %add3A_46 = arith.addi %mul3A_2, %add3A_45 : i32
    %dma_start3A_47 = arith.constant 0 : i32
    %dma_start3A_48 = tpu.memref_slice %arg5[%add3A_46, %dma_start3A_47] : memref<320000x128xf32, #tpu.memory_space<hbm>> -> memref<200x128xf32, #tpu.memory_space<hbm>>
    %dma_start3A_49 = arith.constant 0 : i32
    %dma_start3A_50 = tpu.memref_slice %arg5[%add3A_46, %dma_start3A_49] : memref<320000x128xf32, #tpu.memory_space<hbm>> -> memref<200x128xf32, #tpu.memory_space<hbm>>
    tpu.enqueue_dma source(%arg11 : memref<200x128xf32, #tpu.memory_space<vmem>>) target(%dma_start3A_50 : memref<200x128xf32, #tpu.memory_space<hbm>>) target_semaphore(%arg15 : memref<!tpu.dma_semaphore, #tpu.memory_space<semaphore_mem>>)
    %add3A_51 = arith.constant 600 : i32
    %add3A_52 = arith.addi %mul3A_2, %add3A_51 : i32
    %dma_start3A_53 = arith.constant 0 : i32
    %dma_start3A_54 = tpu.memref_slice %arg4[%add3A_52, %dma_start3A_53] : memref<320000x128xf32, #tpu.memory_space<hbm>> -> memref<200x128xf32, #tpu.memory_space<hbm>>
    %dma_start3A_55 = arith.constant 0 : i32
    %dma_start3A_56 = tpu.memref_slice %arg4[%add3A_52, %dma_start3A_55] : memref<320000x128xf32, #tpu.memory_space<hbm>> -> memref<200x128xf32, #tpu.memory_space<hbm>>
    tpu.enqueue_dma source(%dma_start3A_56 : memref<200x128xf32, #tpu.memory_space<hbm>>) target(%arg9 : memref<200x128xf32, #tpu.memory_space<vmem>>) target_semaphore(%arg13 : memref<!tpu.dma_semaphore, #tpu.memory_space<semaphore_mem>>)
    %scan3A = arith.constant 0 : i32
    %scan3A_57 = arith.constant 1 : i32
    %scan3A_58 = arith.constant 23 : i32
    %scan3A_59 = arith.addi %scan3A_57, %scan3A_58 : i32
    %scan3A_60 = arith.constant 1 : i32
    scf.for %scan3A_116 = %scan3A_57 to %scan3A_59 step %scan3A_60  : i32 {
      %mul3A_117 = arith.constant 2 : i32
      %mul3A_118 = arith.muli %scan3A_116, %mul3A_117 : i32
      %add3A_119 = arith.constant 0 : i32
      %add3A_120 = arith.addi %mul3A_118, %add3A_119 : i32
      %mul3A_121 = arith.constant 200 : i32
      %mul3A_122 = arith.muli %add3A_120, %mul3A_121 : i32
      %add3A_123 = arith.addi %mul3A_2, %mul3A_122 : i32
      %dma_wait3A_124 = arith.constant 0 : i32
      %dma_wait3A_125 = tpu.memref_slice %arg4[%add3A_123, %dma_wait3A_124] : memref<320000x128xf32, #tpu.memory_space<hbm>> -> memref<200x128xf32, #tpu.memory_space<hbm>>
      %dma_wait3A_126 = arith.constant 0 : i32
      %dma_wait3A_127 = tpu.memref_slice %arg4[%add3A_123, %dma_wait3A_126] : memref<320000x128xf32, #tpu.memory_space<hbm>> -> memref<200x128xf32, #tpu.memory_space<hbm>>
      tpu.wait_dma2 semaphore(%arg12 : memref<!tpu.dma_semaphore, #tpu.memory_space<semaphore_mem>>) src(%dma_wait3A_127 : memref<200x128xf32, #tpu.memory_space<hbm>>) dst(%arg8 : memref<200x128xf32, #tpu.memory_space<vmem>>)
      %sub3A = arith.constant 2 : i32
      %sub3A_128 = arith.subi %add3A_120, %sub3A : i32
      %mul3A_129 = arith.constant 200 : i32
      %mul3A_130 = arith.muli %sub3A_128, %mul3A_129 : i32
      %add3A_131 = arith.addi %mul3A_2, %mul3A_130 : i32
      %dma_wait3A_132 = arith.constant 0 : i32
      %dma_wait3A_133 = tpu.memref_slice %arg5[%add3A_131, %dma_wait3A_132] : memref<320000x128xf32, #tpu.memory_space<hbm>> -> memref<200x128xf32, #tpu.memory_space<hbm>>
      %dma_wait3A_134 = arith.constant 0 : i32
      %dma_wait3A_135 = tpu.memref_slice %arg5[%add3A_131, %dma_wait3A_134] : memref<320000x128xf32, #tpu.memory_space<hbm>> -> memref<200x128xf32, #tpu.memory_space<hbm>>
      tpu.wait_dma2 semaphore(%arg14 : memref<!tpu.dma_semaphore, #tpu.memory_space<semaphore_mem>>) src(%arg10 : memref<200x128xf32, #tpu.memory_space<vmem>>) dst(%dma_wait3A_135 : memref<200x128xf32, #tpu.memory_space<hbm>>)
      %mul3A_136 = arith.constant 200 : i32
      %mul3A_137 = arith.muli %add3A_120, %mul3A_136 : i32
      %parallel_loop3A_138 = arith.constant 0 : i32
      %parallel_loop3A_139 = arith.constant 200 : i32
      %parallel_loop3A_140 = arith.constant 1 : i32
      scf.for %parallel_loop3A_198 = %parallel_loop3A_138 to %parallel_loop3A_139 step %parallel_loop3A_140  : i32 {
        %parallel_loop3A_199 = arith.constant 4 : i32
        %parallel_loop3A_200 = arith.shrsi %parallel_loop3A_198, %parallel_loop3A_199 : i32
        %parallel_loop3A_201 = arith.constant 4 : i32
        %parallel_loop3A_202 = arith.shli %parallel_loop3A_200, %parallel_loop3A_201 : i32
        %parallel_loop3A_203 = arith.addi %mul3A_137, %parallel_loop3A_202 : i32
        %parallel_loop3A_204 = arith.index_cast %parallel_loop3A_203 : i32 to index
        %parallel_loop3A_205 = tpu.vector_load %arg7[%parallel_loop3A_204] {strides = array<i32>} : memref<10000xi32, #tpu.memory_space<vmem>>, vector<16xi32>,
        %parallel_loop3A_206 = vector.bitcast %parallel_loop3A_205 : vector<16xi32> to vector<16xf32>
        %parallel_loop3A_207 = arith.constant 15 : i32
        %parallel_loop3A_208 = arith.andi %parallel_loop3A_198, %parallel_loop3A_207 : i32
        %parallel_loop3A_209 = vector.broadcast %parallel_loop3A_208 : i32 to vector<16x1xi32>
        %parallel_loop3A_210 = vector.shape_cast %parallel_loop3A_209 : vector<16x1xi32> to vector<16xi32>
        %parallel_loop3A_211 = tpu.dynamic_gather %parallel_loop3A_206[%parallel_loop3A_210] in [0] : vector<16xf32>, vector<16xi32> -> vector<16xf32>
        %parallel_loop3A_212 = arith.index_cast %parallel_loop3A_198 : i32 to index
        %parallel_loop3A_213 = arith.constant 0 : index
        %parallel_loop3A_214 = tpu.vector_load %arg8[%parallel_loop3A_212, %parallel_loop3A_213] {strides = array<i32>} : memref<200x128xf32, #tpu.memory_space<vmem>>, vector<16xf32>,
        %parallel_loop3A_215 = arith.mulf %parallel_loop3A_214, %parallel_loop3A_211 : vector<16xf32>
        %parallel_loop3A_216 = arith.index_cast %parallel_loop3A_198 : i32 to index
        %parallel_loop3A_217 = arith.constant 0 : index
        %parallel_loop3A_218 = tpu.vector_load %arg10[%parallel_loop3A_216, %parallel_loop3A_217] {strides = array<i32>} : memref<200x128xf32, #tpu.memory_space<vmem>>, vector<16xf32>,
        tpu.vector_store %arg10[%parallel_loop3A_216, %parallel_loop3A_217], %parallel_loop3A_215 {strides = array<i32>} : memref<200x128xf32, #tpu.memory_space<vmem>>, vector<16xf32>,
        %parallel_loop3A_219 = arith.index_cast %parallel_loop3A_198 : i32 to index
        %parallel_loop3A_220 = arith.constant 16 : index
        %parallel_loop3A_221 = tpu.vector_load %arg8[%parallel_loop3A_219, %parallel_loop3A_220] {strides = array<i32>} : memref<200x128xf32, #tpu.memory_space<vmem>>, vector<16xf32>,
        %parallel_loop3A_222 = arith.mulf %parallel_loop3A_221, %parallel_loop3A_211 : vector<16xf32>
        %parallel_loop3A_223 = arith.index_cast %parallel_loop3A_198 : i32 to index
        %parallel_loop3A_224 = arith.constant 16 : index
        %parallel_loop3A_225 = tpu.vector_load %arg10[%parallel_loop3A_223, %parallel_loop3A_224] {strides = array<i32>} : memref<200x128xf32, #tpu.memory_space<vmem>>, vector<16xf32>,
        tpu.vector_store %arg10[%parallel_loop3A_223, %parallel_loop3A_224], %parallel_loop3A_222 {strides = array<i32>} : memref<200x128xf32, #tpu.memory_space<vmem>>, vector<16xf32>,
        %parallel_loop3A_226 = arith.index_cast %parallel_loop3A_198 : i32 to index
        %parallel_loop3A_227 = arith.constant 32 : index
        %parallel_loop3A_228 = tpu.vector_load %arg8[%parallel_loop3A_226, %parallel_loop3A_227] {strides = array<i32>} : memref<200x128xf32, #tpu.memory_space<vmem>>, vector<16xf32>,
        %parallel_loop3A_229 = arith.mulf %parallel_loop3A_228, %parallel_loop3A_211 : vector<16xf32>
        %parallel_loop3A_230 = arith.index_cast %parallel_loop3A_198 : i32 to index
        %parallel_loop3A_231 = arith.constant 32 : index
        %parallel_loop3A_232 = tpu.vector_load %arg10[%parallel_loop3A_230, %parallel_loop3A_231] {strides = array<i32>} : memref<200x128xf32, #tpu.memory_space<vmem>>, vector<16xf32>,
        tpu.vector_store %arg10[%parallel_loop3A_230, %parallel_loop3A_231], %parallel_loop3A_229 {strides = array<i32>} : memref<200x128xf32, #tpu.memory_space<vmem>>, vector<16xf32>,
        %parallel_loop3A_233 = arith.index_cast %parallel_loop3A_198 : i32 to index
        %parallel_loop3A_234 = arith.constant 48 : index
        %parallel_loop3A_235 = tpu.vector_load %arg8[%parallel_loop3A_233, %parallel_loop3A_234] {strides = array<i32>} : memref<200x128xf32, #tpu.memory_space<vmem>>, vector<16xf32>,
        %parallel_loop3A_236 = arith.mulf %parallel_loop3A_235, %parallel_loop3A_211 : vector<16xf32>
        %parallel_loop3A_237 = arith.index_cast %parallel_loop3A_198 : i32 to index
        %parallel_loop3A_238 = arith.constant 48 : index
        %parallel_loop3A_239 = tpu.vector_load %arg10[%parallel_loop3A_237, %parallel_loop3A_238] {strides = array<i32>} : memref<200x128xf32, #tpu.memory_space<vmem>>, vector<16xf32>,
        tpu.vector_store %arg10[%parallel_loop3A_237, %parallel_loop3A_238], %parallel_loop3A_236 {strides = array<i32>} : memref<200x128xf32, #tpu.memory_space<vmem>>, vector<16xf32>,
        %parallel_loop3A_240 = arith.index_cast %parallel_loop3A_198 : i32 to index
        %parallel_loop3A_241 = arith.constant 64 : index
        %parallel_loop3A_242 = tpu.vector_load %arg8[%parallel_loop3A_240, %parallel_loop3A_241] {strides = array<i32>} : memref<200x128xf32, #tpu.memory_space<vmem>>, vector<16xf32>,
        %parallel_loop3A_243 = arith.mulf %parallel_loop3A_242, %parallel_loop3A_211 : vector<16xf32>
        %parallel_loop3A_244 = arith.index_cast %parallel_loop3A_198 : i32 to index
        %parallel_loop3A_245 = arith.constant 64 : index
        %parallel_loop3A_246 = tpu.vector_load %arg10[%parallel_loop3A_244, %parallel_loop3A_245] {strides = array<i32>} : memref<200x128xf32, #tpu.memory_space<vmem>>, vector<16xf32>,
        tpu.vector_store %arg10[%parallel_loop3A_244, %parallel_loop3A_245], %parallel_loop3A_243 {strides = array<i32>} : memref<200x128xf32, #tpu.memory_space<vmem>>, vector<16xf32>,
        %parallel_loop3A_247 = arith.index_cast %parallel_loop3A_198 : i32 to index
        %parallel_loop3A_248 = arith.constant 80 : index
        %parallel_loop3A_249 = tpu.vector_load %arg8[%parallel_loop3A_247, %parallel_loop3A_248] {strides = array<i32>} : memref<200x128xf32, #tpu.memory_space<vmem>>, vector<16xf32>,
        %parallel_loop3A_250 = arith.mulf %parallel_loop3A_249, %parallel_loop3A_211 : vector<16xf32>
        %parallel_loop3A_251 = arith.index_cast %parallel_loop3A_198 : i32 to index
        %parallel_loop3A_252 = arith.constant 80 : index
        %parallel_loop3A_253 = tpu.vector_load %arg10[%parallel_loop3A_251, %parallel_loop3A_252] {strides = array<i32>} : memref<200x128xf32, #tpu.memory_space<vmem>>, vector<16xf32>,
        tpu.vector_store %arg10[%parallel_loop3A_251, %parallel_loop3A_252], %parallel_loop3A_250 {strides = array<i32>} : memref<200x128xf32, #tpu.memory_space<vmem>>, vector<16xf32>,
        %parallel_loop3A_254 = arith.index_cast %parallel_loop3A_198 : i32 to index
        %parallel_loop3A_255 = arith.constant 96 : index
        %parallel_loop3A_256 = tpu.vector_load %arg8[%parallel_loop3A_254, %parallel_loop3A_255] {strides = array<i32>} : memref<200x128xf32, #tpu.memory_space<vmem>>, vector<16xf32>,
        %parallel_loop3A_257 = arith.mulf %parallel_loop3A_256, %parallel_loop3A_211 : vector<16xf32>
        %parallel_loop3A_258 = arith.index_cast %parallel_loop3A_198 : i32 to index
        %parallel_loop3A_259 = arith.constant 96 : index
        %parallel_loop3A_260 = tpu.vector_load %arg10[%parallel_loop3A_258, %parallel_loop3A_259] {strides = array<i32>} : memref<200x128xf32, #tpu.memory_space<vmem>>, vector<16xf32>,
        tpu.vector_store %arg10[%parallel_loop3A_258, %parallel_loop3A_259], %parallel_loop3A_257 {strides = array<i32>} : memref<200x128xf32, #tpu.memory_space<vmem>>, vector<16xf32>,
        %parallel_loop3A_261 = arith.index_cast %parallel_loop3A_198 : i32 to index
        %parallel_loop3A_262 = arith.constant 112 : index
        %parallel_loop3A_263 = tpu.vector_load %arg8[%parallel_loop3A_261, %parallel_loop3A_262] {strides = array<i32>} : memref<200x128xf32, #tpu.memory_space<vmem>>, vector<16xf32>,
        %parallel_loop3A_264 = arith.mulf %parallel_loop3A_263, %parallel_loop3A_211 : vector<16xf32>
        %parallel_loop3A_265 = arith.index_cast %parallel_loop3A_198 : i32 to index
        %parallel_loop3A_266 = arith.constant 112 : index
        %parallel_loop3A_267 = tpu.vector_load %arg10[%parallel_loop3A_265, %parallel_loop3A_266] {strides = array<i32>} : memref<200x128xf32, #tpu.memory_space<vmem>>, vector<16xf32>,
        tpu.vector_store %arg10[%parallel_loop3A_265, %parallel_loop3A_266], %parallel_loop3A_264 {strides = array<i32>} : memref<200x128xf32, #tpu.memory_space<vmem>>, vector<16xf32>,
      } {sc.loop_unroll_factor = 2 : i64, sc.parallel_access}
      %mul3A_141 = arith.constant 200 : i32
      %mul3A_142 = arith.muli %add3A_120, %mul3A_141 : i32
      %add3A_143 = arith.addi %mul3A_2, %mul3A_142 : i32
      %dma_start3A_144 = arith.constant 0 : i32
      %dma_start3A_145 = tpu.memref_slice %arg5[%add3A_143, %dma_start3A_144] : memref<320000x128xf32, #tpu.memory_space<hbm>> -> memref<200x128xf32, #tpu.memory_space<hbm>>
      %dma_start3A_146 = arith.constant 0 : i32
      %dma_start3A_147 = tpu.memref_slice %arg5[%add3A_143, %dma_start3A_146] : memref<320000x128xf32, #tpu.memory_space<hbm>> -> memref<200x128xf32, #tpu.memory_space<hbm>>
      tpu.enqueue_dma source(%arg10 : memref<200x128xf32, #tpu.memory_space<vmem>>) target(%dma_start3A_147 : memref<200x128xf32, #tpu.memory_space<hbm>>) target_semaphore(%arg14 : memref<!tpu.dma_semaphore, #tpu.memory_space<semaphore_mem>>)
      %add3A_148 = arith.constant 2 : i32
      %add3A_149 = arith.addi %add3A_120, %add3A_148 : i32
      %mul3A_150 = arith.constant 200 : i32
      %mul3A_151 = arith.muli %add3A_149, %mul3A_150 : i32
      %add3A_152 = arith.addi %mul3A_2, %mul3A_151 : i32
      %dma_start3A_153 = arith.constant 0 : i32
      %dma_start3A_154 = tpu.memref_slice %arg4[%add3A_152, %dma_start3A_153] : memref<320000x128xf32, #tpu.memory_space<hbm>> -> memref<200x128xf32, #tpu.memory_space<hbm>>
      %dma_start3A_155 = arith.constant 0 : i32
      %dma_start3A_156 = tpu.memref_slice %arg4[%add3A_152, %dma_start3A_155] : memref<320000x128xf32, #tpu.memory_space<hbm>> -> memref<200x128xf32, #tpu.memory_space<hbm>>
      tpu.enqueue_dma source(%dma_start3A_156 : memref<200x128xf32, #tpu.memory_space<hbm>>) target(%arg8 : memref<200x128xf32, #tpu.memory_space<vmem>>) target_semaphore(%arg12 : memref<!tpu.dma_semaphore, #tpu.memory_space<semaphore_mem>>)
      %mul3A_157 = arith.constant 2 : i32
      %mul3A_158 = arith.muli %scan3A_116, %mul3A_157 : i32
      %add3A_159 = arith.constant 1 : i32
      %add3A_160 = arith.addi %mul3A_158, %add3A_159 : i32
      %mul3A_161 = arith.constant 200 : i32
      %mul3A_162 = arith.muli %add3A_160, %mul3A_161 : i32
      %add3A_163 = arith.addi %mul3A_2, %mul3A_162 : i32
      %dma_wait3A_164 = arith.constant 0 : i32
      %dma_wait3A_165 = tpu.memref_slice %arg4[%add3A_163, %dma_wait3A_164] : memref<320000x128xf32, #tpu.memory_space<hbm>> -> memref<200x128xf32, #tpu.memory_space<hbm>>
      %dma_wait3A_166 = arith.constant 0 : i32
      %dma_wait3A_167 = tpu.memref_slice %arg4[%add3A_163, %dma_wait3A_166] : memref<320000x128xf32, #tpu.memory_space<hbm>> -> memref<200x128xf32, #tpu.memory_space<hbm>>
      tpu.wait_dma2 semaphore(%arg13 : memref<!tpu.dma_semaphore, #tpu.memory_space<semaphore_mem>>) src(%dma_wait3A_167 : memref<200x128xf32, #tpu.memory_space<hbm>>) dst(%arg9 : memref<200x128xf32, #tpu.memory_space<vmem>>)
      %sub3A_168 = arith.constant 2 : i32
      %sub3A_169 = arith.subi %add3A_160, %sub3A_168 : i32
      %mul3A_170 = arith.constant 200 : i32
      %mul3A_171 = arith.muli %sub3A_169, %mul3A_170 : i32
      %add3A_172 = arith.addi %mul3A_2, %mul3A_171 : i32
      %dma_wait3A_173 = arith.constant 0 : i32
      %dma_wait3A_174 = tpu.memref_slice %arg5[%add3A_172, %dma_wait3A_173] : memref<320000x128xf32, #tpu.memory_space<hbm>> -> memref<200x128xf32, #tpu.memory_space<hbm>>
      %dma_wait3A_175 = arith.constant 0 : i32
      %dma_wait3A_176 = tpu.memref_slice %arg5[%add3A_172, %dma_wait3A_175] : memref<320000x128xf32, #tpu.memory_space<hbm>> -> memref<200x128xf32, #tpu.memory_space<hbm>>
      tpu.wait_dma2 semaphore(%arg15 : memref<!tpu.dma_semaphore, #tpu.memory_space<semaphore_mem>>) src(%arg11 : memref<200x128xf32, #tpu.memory_space<vmem>>) dst(%dma_wait3A_176 : memref<200x128xf32, #tpu.memory_space<hbm>>)
      %mul3A_177 = arith.constant 200 : i32
      %mul3A_178 = arith.muli %add3A_160, %mul3A_177 : i32
      %parallel_loop3A_179 = arith.constant 0 : i32
      %parallel_loop3A_180 = arith.constant 200 : i32
      %parallel_loop3A_181 = arith.constant 1 : i32
      scf.for %parallel_loop3A_198 = %parallel_loop3A_179 to %parallel_loop3A_180 step %parallel_loop3A_181  : i32 {
        %parallel_loop3A_199 = arith.constant 4 : i32
        %parallel_loop3A_200 = arith.shrsi %parallel_loop3A_198, %parallel_loop3A_199 : i32
        %parallel_loop3A_201 = arith.constant 4 : i32
        %parallel_loop3A_202 = arith.shli %parallel_loop3A_200, %parallel_loop3A_201 : i32
        %parallel_loop3A_203 = arith.addi %mul3A_178, %parallel_loop3A_202 : i32
        %parallel_loop3A_204 = arith.index_cast %parallel_loop3A_203 : i32 to index
        %parallel_loop3A_205 = tpu.vector_load %arg7[%parallel_loop3A_204] {strides = array<i32>} : memref<10000xi32, #tpu.memory_space<vmem>>, vector<16xi32>,
        %parallel_loop3A_206 = vector.bitcast %parallel_loop3A_205 : vector<16xi32> to vector<16xf32>
        %parallel_loop3A_207 = arith.constant 15 : i32
        %parallel_loop3A_208 = arith.andi %parallel_loop3A_198, %parallel_loop3A_207 : i32
        %parallel_loop3A_209 = vector.broadcast %parallel_loop3A_208 : i32 to vector<16x1xi32>
        %parallel_loop3A_210 = vector.shape_cast %parallel_loop3A_209 : vector<16x1xi32> to vector<16xi32>
        %parallel_loop3A_211 = tpu.dynamic_gather %parallel_loop3A_206[%parallel_loop3A_210] in [0] : vector<16xf32>, vector<16xi32> -> vector<16xf32>
        %parallel_loop3A_212 = arith.index_cast %parallel_loop3A_198 : i32 to index
        %parallel_loop3A_213 = arith.constant 0 : index
        %parallel_loop3A_214 = tpu.vector_load %arg9[%parallel_loop3A_212, %parallel_loop3A_213] {strides = array<i32>} : memref<200x128xf32, #tpu.memory_space<vmem>>, vector<16xf32>,
        %parallel_loop3A_215 = arith.mulf %parallel_loop3A_214, %parallel_loop3A_211 : vector<16xf32>
        %parallel_loop3A_216 = arith.index_cast %parallel_loop3A_198 : i32 to index
        %parallel_loop3A_217 = arith.constant 0 : index
        %parallel_loop3A_218 = tpu.vector_load %arg11[%parallel_loop3A_216, %parallel_loop3A_217] {strides = array<i32>} : memref<200x128xf32, #tpu.memory_space<vmem>>, vector<16xf32>,
        tpu.vector_store %arg11[%parallel_loop3A_216, %parallel_loop3A_217], %parallel_loop3A_215 {strides = array<i32>} : memref<200x128xf32, #tpu.memory_space<vmem>>, vector<16xf32>,
        %parallel_loop3A_219 = arith.index_cast %parallel_loop3A_198 : i32 to index
        %parallel_loop3A_220 = arith.constant 16 : index
        %parallel_loop3A_221 = tpu.vector_load %arg9[%parallel_loop3A_219, %parallel_loop3A_220] {strides = array<i32>} : memref<200x128xf32, #tpu.memory_space<vmem>>, vector<16xf32>,
        %parallel_loop3A_222 = arith.mulf %parallel_loop3A_221, %parallel_loop3A_211 : vector<16xf32>
        %parallel_loop3A_223 = arith.index_cast %parallel_loop3A_198 : i32 to index
        %parallel_loop3A_224 = arith.constant 16 : index
        %parallel_loop3A_225 = tpu.vector_load %arg11[%parallel_loop3A_223, %parallel_loop3A_224] {strides = array<i32>} : memref<200x128xf32, #tpu.memory_space<vmem>>, vector<16xf32>,
        tpu.vector_store %arg11[%parallel_loop3A_223, %parallel_loop3A_224], %parallel_loop3A_222 {strides = array<i32>} : memref<200x128xf32, #tpu.memory_space<vmem>>, vector<16xf32>,
        %parallel_loop3A_226 = arith.index_cast %parallel_loop3A_198 : i32 to index
        %parallel_loop3A_227 = arith.constant 32 : index
        %parallel_loop3A_228 = tpu.vector_load %arg9[%parallel_loop3A_226, %parallel_loop3A_227] {strides = array<i32>} : memref<200x128xf32, #tpu.memory_space<vmem>>, vector<16xf32>,
        %parallel_loop3A_229 = arith.mulf %parallel_loop3A_228, %parallel_loop3A_211 : vector<16xf32>
        %parallel_loop3A_230 = arith.index_cast %parallel_loop3A_198 : i32 to index
        %parallel_loop3A_231 = arith.constant 32 : index
        %parallel_loop3A_232 = tpu.vector_load %arg11[%parallel_loop3A_230, %parallel_loop3A_231] {strides = array<i32>} : memref<200x128xf32, #tpu.memory_space<vmem>>, vector<16xf32>,
        tpu.vector_store %arg11[%parallel_loop3A_230, %parallel_loop3A_231], %parallel_loop3A_229 {strides = array<i32>} : memref<200x128xf32, #tpu.memory_space<vmem>>, vector<16xf32>,
        %parallel_loop3A_233 = arith.index_cast %parallel_loop3A_198 : i32 to index
        %parallel_loop3A_234 = arith.constant 48 : index
        %parallel_loop3A_235 = tpu.vector_load %arg9[%parallel_loop3A_233, %parallel_loop3A_234] {strides = array<i32>} : memref<200x128xf32, #tpu.memory_space<vmem>>, vector<16xf32>,
        %parallel_loop3A_236 = arith.mulf %parallel_loop3A_235, %parallel_loop3A_211 : vector<16xf32>
        %parallel_loop3A_237 = arith.index_cast %parallel_loop3A_198 : i32 to index
        %parallel_loop3A_238 = arith.constant 48 : index
        %parallel_loop3A_239 = tpu.vector_load %arg11[%parallel_loop3A_237, %parallel_loop3A_238] {strides = array<i32>} : memref<200x128xf32, #tpu.memory_space<vmem>>, vector<16xf32>,
        tpu.vector_store %arg11[%parallel_loop3A_237, %parallel_loop3A_238], %parallel_loop3A_236 {strides = array<i32>} : memref<200x128xf32, #tpu.memory_space<vmem>>, vector<16xf32>,
        %parallel_loop3A_240 = arith.index_cast %parallel_loop3A_198 : i32 to index
        %parallel_loop3A_241 = arith.constant 64 : index
        %parallel_loop3A_242 = tpu.vector_load %arg9[%parallel_loop3A_240, %parallel_loop3A_241] {strides = array<i32>} : memref<200x128xf32, #tpu.memory_space<vmem>>, vector<16xf32>,
        %parallel_loop3A_243 = arith.mulf %parallel_loop3A_242, %parallel_loop3A_211 : vector<16xf32>
        %parallel_loop3A_244 = arith.index_cast %parallel_loop3A_198 : i32 to index
        %parallel_loop3A_245 = arith.constant 64 : index
        %parallel_loop3A_246 = tpu.vector_load %arg11[%parallel_loop3A_244, %parallel_loop3A_245] {strides = array<i32>} : memref<200x128xf32, #tpu.memory_space<vmem>>, vector<16xf32>,
        tpu.vector_store %arg11[%parallel_loop3A_244, %parallel_loop3A_245], %parallel_loop3A_243 {strides = array<i32>} : memref<200x128xf32, #tpu.memory_space<vmem>>, vector<16xf32>,
        %parallel_loop3A_247 = arith.index_cast %parallel_loop3A_198 : i32 to index
        %parallel_loop3A_248 = arith.constant 80 : index
        %parallel_loop3A_249 = tpu.vector_load %arg9[%parallel_loop3A_247, %parallel_loop3A_248] {strides = array<i32>} : memref<200x128xf32, #tpu.memory_space<vmem>>, vector<16xf32>,
        %parallel_loop3A_250 = arith.mulf %parallel_loop3A_249, %parallel_loop3A_211 : vector<16xf32>
        %parallel_loop3A_251 = arith.index_cast %parallel_loop3A_198 : i32 to index
        %parallel_loop3A_252 = arith.constant 80 : index
        %parallel_loop3A_253 = tpu.vector_load %arg11[%parallel_loop3A_251, %parallel_loop3A_252] {strides = array<i32>} : memref<200x128xf32, #tpu.memory_space<vmem>>, vector<16xf32>,
        tpu.vector_store %arg11[%parallel_loop3A_251, %parallel_loop3A_252], %parallel_loop3A_250 {strides = array<i32>} : memref<200x128xf32, #tpu.memory_space<vmem>>, vector<16xf32>,
        %parallel_loop3A_254 = arith.index_cast %parallel_loop3A_198 : i32 to index
        %parallel_loop3A_255 = arith.constant 96 : index
        %parallel_loop3A_256 = tpu.vector_load %arg9[%parallel_loop3A_254, %parallel_loop3A_255] {strides = array<i32>} : memref<200x128xf32, #tpu.memory_space<vmem>>, vector<16xf32>,
        %parallel_loop3A_257 = arith.mulf %parallel_loop3A_256, %parallel_loop3A_211 : vector<16xf32>
        %parallel_loop3A_258 = arith.index_cast %parallel_loop3A_198 : i32 to index
        %parallel_loop3A_259 = arith.constant 96 : index
        %parallel_loop3A_260 = tpu.vector_load %arg11[%parallel_loop3A_258, %parallel_loop3A_259] {strides = array<i32>} : memref<200x128xf32, #tpu.memory_space<vmem>>, vector<16xf32>,
        tpu.vector_store %arg11[%parallel_loop3A_258, %parallel_loop3A_259], %parallel_loop3A_257 {strides = array<i32>} : memref<200x128xf32, #tpu.memory_space<vmem>>, vector<16xf32>,
        %parallel_loop3A_261 = arith.index_cast %parallel_loop3A_198 : i32 to index
        %parallel_loop3A_262 = arith.constant 112 : index
        %parallel_loop3A_263 = tpu.vector_load %arg9[%parallel_loop3A_261, %parallel_loop3A_262] {strides = array<i32>} : memref<200x128xf32, #tpu.memory_space<vmem>>, vector<16xf32>,
        %parallel_loop3A_264 = arith.mulf %parallel_loop3A_263, %parallel_loop3A_211 : vector<16xf32>
        %parallel_loop3A_265 = arith.index_cast %parallel_loop3A_198 : i32 to index
        %parallel_loop3A_266 = arith.constant 112 : index
        %parallel_loop3A_267 = tpu.vector_load %arg11[%parallel_loop3A_265, %parallel_loop3A_266] {strides = array<i32>} : memref<200x128xf32, #tpu.memory_space<vmem>>, vector<16xf32>,
        tpu.vector_store %arg11[%parallel_loop3A_265, %parallel_loop3A_266], %parallel_loop3A_264 {strides = array<i32>} : memref<200x128xf32, #tpu.memory_space<vmem>>, vector<16xf32>,
      } {sc.loop_unroll_factor = 2 : i64, sc.parallel_access}
      %mul3A_182 = arith.constant 200 : i32
      %mul3A_183 = arith.muli %add3A_160, %mul3A_182 : i32
      %add3A_184 = arith.addi %mul3A_2, %mul3A_183 : i32
      %dma_start3A_185 = arith.constant 0 : i32
      %dma_start3A_186 = tpu.memref_slice %arg5[%add3A_184, %dma_start3A_185] : memref<320000x128xf32, #tpu.memory_space<hbm>> -> memref<200x128xf32, #tpu.memory_space<hbm>>
      %dma_start3A_187 = arith.constant 0 : i32
      %dma_start3A_188 = tpu.memref_slice %arg5[%add3A_184, %dma_start3A_187] : memref<320000x128xf32, #tpu.memory_space<hbm>> -> memref<200x128xf32, #tpu.memory_space<hbm>>
      tpu.enqueue_dma source(%arg11 : memref<200x128xf32, #tpu.memory_space<vmem>>) target(%dma_start3A_188 : memref<200x128xf32, #tpu.memory_space<hbm>>) target_semaphore(%arg15 : memref<!tpu.dma_semaphore, #tpu.memory_space<semaphore_mem>>)
      %add3A_189 = arith.constant 2 : i32
      %add3A_190 = arith.addi %add3A_160, %add3A_189 : i32
      %mul3A_191 = arith.constant 200 : i32
      %mul3A_192 = arith.muli %add3A_190, %mul3A_191 : i32
      %add3A_193 = arith.addi %mul3A_2, %mul3A_192 : i32
      %dma_start3A_194 = arith.constant 0 : i32
      %dma_start3A_195 = tpu.memref_slice %arg4[%add3A_193, %dma_start3A_194] : memref<320000x128xf32, #tpu.memory_space<hbm>> -> memref<200x128xf32, #tpu.memory_space<hbm>>
      %dma_start3A_196 = arith.constant 0 : i32
      %dma_start3A_197 = tpu.memref_slice %arg4[%add3A_193, %dma_start3A_196] : memref<320000x128xf32, #tpu.memory_space<hbm>> -> memref<200x128xf32, #tpu.memory_space<hbm>>
      tpu.enqueue_dma source(%dma_start3A_197 : memref<200x128xf32, #tpu.memory_space<hbm>>) target(%arg9 : memref<200x128xf32, #tpu.memory_space<vmem>>) target_semaphore(%arg13 : memref<!tpu.dma_semaphore, #tpu.memory_space<semaphore_mem>>)
    }
    %scan3A_61 = arith.constant 23 : i32
    %add3A_62 = arith.constant 9600 : i32
    %add3A_63 = arith.addi %mul3A_2, %add3A_62 : i32
    %dma_wait3A_64 = arith.constant 0 : i32
    %dma_wait3A_65 = tpu.memref_slice %arg4[%add3A_63, %dma_wait3A_64] : memref<320000x128xf32, #tpu.memory_space<hbm>> -> memref<200x128xf32, #tpu.memory_space<hbm>>
    %dma_wait3A_66 = arith.constant 0 : i32
    %dma_wait3A_67 = tpu.memref_slice %arg4[%add3A_63, %dma_wait3A_66] : memref<320000x128xf32, #tpu.memory_space<hbm>> -> memref<200x128xf32, #tpu.memory_space<hbm>>
    tpu.wait_dma2 semaphore(%arg12 : memref<!tpu.dma_semaphore, #tpu.memory_space<semaphore_mem>>) src(%dma_wait3A_67 : memref<200x128xf32, #tpu.memory_space<hbm>>) dst(%arg8 : memref<200x128xf32, #tpu.memory_space<vmem>>)
    %add3A_68 = arith.constant 9200 : i32
    %add3A_69 = arith.addi %mul3A_2, %add3A_68 : i32
    %dma_wait3A_70 = arith.constant 0 : i32
    %dma_wait3A_71 = tpu.memref_slice %arg5[%add3A_69, %dma_wait3A_70] : memref<320000x128xf32, #tpu.memory_space<hbm>> -> memref<200x128xf32, #tpu.memory_space<hbm>>
    %dma_wait3A_72 = arith.constant 0 : i32
    %dma_wait3A_73 = tpu.memref_slice %arg5[%add3A_69, %dma_wait3A_72] : memref<320000x128xf32, #tpu.memory_space<hbm>> -> memref<200x128xf32, #tpu.memory_space<hbm>>
    tpu.wait_dma2 semaphore(%arg14 : memref<!tpu.dma_semaphore, #tpu.memory_space<semaphore_mem>>) src(%arg10 : memref<200x128xf32, #tpu.memory_space<vmem>>) dst(%dma_wait3A_73 : memref<200x128xf32, #tpu.memory_space<hbm>>)
    %parallel_loop3A_74 = arith.constant 0 : i32
    %parallel_loop3A_75 = arith.constant 200 : i32
    %parallel_loop3A_76 = arith.constant 1 : i32
    scf.for %parallel_loop3A_116 = %parallel_loop3A_74 to %parallel_loop3A_75 step %parallel_loop3A_76  : i32 {
      %parallel_loop3A_117 = arith.constant 4 : i32
      %parallel_loop3A_118 = arith.shrsi %parallel_loop3A_116, %parallel_loop3A_117 : i32
      %parallel_loop3A_119 = arith.constant 4 : i32
      %parallel_loop3A_120 = arith.shli %parallel_loop3A_118, %parallel_loop3A_119 : i32
      %parallel_loop3A_121 = arith.constant 9600 : i32
      %parallel_loop3A_122 = arith.addi %parallel_loop3A_121, %parallel_loop3A_120 : i32
      %parallel_loop3A_123 = arith.index_cast %parallel_loop3A_122 : i32 to index
      %parallel_loop3A_124 = tpu.vector_load %arg7[%parallel_loop3A_123] {strides = array<i32>} : memref<10000xi32, #tpu.memory_space<vmem>>, vector<16xi32>,
      %parallel_loop3A_125 = vector.bitcast %parallel_loop3A_124 : vector<16xi32> to vector<16xf32>
      %parallel_loop3A_126 = arith.constant 15 : i32
      %parallel_loop3A_127 = arith.andi %parallel_loop3A_116, %parallel_loop3A_126 : i32
      %parallel_loop3A_128 = vector.broadcast %parallel_loop3A_127 : i32 to vector<16x1xi32>
      %parallel_loop3A_129 = vector.shape_cast %parallel_loop3A_128 : vector<16x1xi32> to vector<16xi32>
      %parallel_loop3A_130 = tpu.dynamic_gather %parallel_loop3A_125[%parallel_loop3A_129] in [0] : vector<16xf32>, vector<16xi32> -> vector<16xf32>
      %parallel_loop3A_131 = arith.index_cast %parallel_loop3A_116 : i32 to index
      %parallel_loop3A_132 = arith.constant 0 : index
      %parallel_loop3A_133 = tpu.vector_load %arg8[%parallel_loop3A_131, %parallel_loop3A_132] {strides = array<i32>} : memref<200x128xf32, #tpu.memory_space<vmem>>, vector<16xf32>,
      %parallel_loop3A_134 = arith.mulf %parallel_loop3A_133, %parallel_loop3A_130 : vector<16xf32>
      %parallel_loop3A_135 = arith.index_cast %parallel_loop3A_116 : i32 to index
      %parallel_loop3A_136 = arith.constant 0 : index
      %parallel_loop3A_137 = tpu.vector_load %arg10[%parallel_loop3A_135, %parallel_loop3A_136] {strides = array<i32>} : memref<200x128xf32, #tpu.memory_space<vmem>>, vector<16xf32>,
      tpu.vector_store %arg10[%parallel_loop3A_135, %parallel_loop3A_136], %parallel_loop3A_134 {strides = array<i32>} : memref<200x128xf32, #tpu.memory_space<vmem>>, vector<16xf32>,
      %parallel_loop3A_138 = arith.index_cast %parallel_loop3A_116 : i32 to index
      %parallel_loop3A_139 = arith.constant 16 : index
      %parallel_loop3A_140 = tpu.vector_load %arg8[%parallel_loop3A_138, %parallel_loop3A_139] {strides = array<i32>} : memref<200x128xf32, #tpu.memory_space<vmem>>, vector<16xf32>,
      %parallel_loop3A_141 = arith.mulf %parallel_loop3A_140, %parallel_loop3A_130 : vector<16xf32>
      %parallel_loop3A_142 = arith.index_cast %parallel_loop3A_116 : i32 to index
      %parallel_loop3A_143 = arith.constant 16 : index
      %parallel_loop3A_144 = tpu.vector_load %arg10[%parallel_loop3A_142, %parallel_loop3A_143] {strides = array<i32>} : memref<200x128xf32, #tpu.memory_space<vmem>>, vector<16xf32>,
      tpu.vector_store %arg10[%parallel_loop3A_142, %parallel_loop3A_143], %parallel_loop3A_141 {strides = array<i32>} : memref<200x128xf32, #tpu.memory_space<vmem>>, vector<16xf32>,
      %parallel_loop3A_145 = arith.index_cast %parallel_loop3A_116 : i32 to index
      %parallel_loop3A_146 = arith.constant 32 : index
      %parallel_loop3A_147 = tpu.vector_load %arg8[%parallel_loop3A_145, %parallel_loop3A_146] {strides = array<i32>} : memref<200x128xf32, #tpu.memory_space<vmem>>, vector<16xf32>,
      %parallel_loop3A_148 = arith.mulf %parallel_loop3A_147, %parallel_loop3A_130 : vector<16xf32>
      %parallel_loop3A_149 = arith.index_cast %parallel_loop3A_116 : i32 to index
      %parallel_loop3A_150 = arith.constant 32 : index
      %parallel_loop3A_151 = tpu.vector_load %arg10[%parallel_loop3A_149, %parallel_loop3A_150] {strides = array<i32>} : memref<200x128xf32, #tpu.memory_space<vmem>>, vector<16xf32>,
      tpu.vector_store %arg10[%parallel_loop3A_149, %parallel_loop3A_150], %parallel_loop3A_148 {strides = array<i32>} : memref<200x128xf32, #tpu.memory_space<vmem>>, vector<16xf32>,
      %parallel_loop3A_152 = arith.index_cast %parallel_loop3A_116 : i32 to index
      %parallel_loop3A_153 = arith.constant 48 : index
      %parallel_loop3A_154 = tpu.vector_load %arg8[%parallel_loop3A_152, %parallel_loop3A_153] {strides = array<i32>} : memref<200x128xf32, #tpu.memory_space<vmem>>, vector<16xf32>,
      %parallel_loop3A_155 = arith.mulf %parallel_loop3A_154, %parallel_loop3A_130 : vector<16xf32>
      %parallel_loop3A_156 = arith.index_cast %parallel_loop3A_116 : i32 to index
      %parallel_loop3A_157 = arith.constant 48 : index
      %parallel_loop3A_158 = tpu.vector_load %arg10[%parallel_loop3A_156, %parallel_loop3A_157] {strides = array<i32>} : memref<200x128xf32, #tpu.memory_space<vmem>>, vector<16xf32>,
      tpu.vector_store %arg10[%parallel_loop3A_156, %parallel_loop3A_157], %parallel_loop3A_155 {strides = array<i32>} : memref<200x128xf32, #tpu.memory_space<vmem>>, vector<16xf32>,
      %parallel_loop3A_159 = arith.index_cast %parallel_loop3A_116 : i32 to index
      %parallel_loop3A_160 = arith.constant 64 : index
      %parallel_loop3A_161 = tpu.vector_load %arg8[%parallel_loop3A_159, %parallel_loop3A_160] {strides = array<i32>} : memref<200x128xf32, #tpu.memory_space<vmem>>, vector<16xf32>,
      %parallel_loop3A_162 = arith.mulf %parallel_loop3A_161, %parallel_loop3A_130 : vector<16xf32>
      %parallel_loop3A_163 = arith.index_cast %parallel_loop3A_116 : i32 to index
      %parallel_loop3A_164 = arith.constant 64 : index
      %parallel_loop3A_165 = tpu.vector_load %arg10[%parallel_loop3A_163, %parallel_loop3A_164] {strides = array<i32>} : memref<200x128xf32, #tpu.memory_space<vmem>>, vector<16xf32>,
      tpu.vector_store %arg10[%parallel_loop3A_163, %parallel_loop3A_164], %parallel_loop3A_162 {strides = array<i32>} : memref<200x128xf32, #tpu.memory_space<vmem>>, vector<16xf32>,
      %parallel_loop3A_166 = arith.index_cast %parallel_loop3A_116 : i32 to index
      %parallel_loop3A_167 = arith.constant 80 : index
      %parallel_loop3A_168 = tpu.vector_load %arg8[%parallel_loop3A_166, %parallel_loop3A_167] {strides = array<i32>} : memref<200x128xf32, #tpu.memory_space<vmem>>, vector<16xf32>,
      %parallel_loop3A_169 = arith.mulf %parallel_loop3A_168, %parallel_loop3A_130 : vector<16xf32>
      %parallel_loop3A_170 = arith.index_cast %parallel_loop3A_116 : i32 to index
      %parallel_loop3A_171 = arith.constant 80 : index
      %parallel_loop3A_172 = tpu.vector_load %arg10[%parallel_loop3A_170, %parallel_loop3A_171] {strides = array<i32>} : memref<200x128xf32, #tpu.memory_space<vmem>>, vector<16xf32>,
      tpu.vector_store %arg10[%parallel_loop3A_170, %parallel_loop3A_171], %parallel_loop3A_169 {strides = array<i32>} : memref<200x128xf32, #tpu.memory_space<vmem>>, vector<16xf32>,
      %parallel_loop3A_173 = arith.index_cast %parallel_loop3A_116 : i32 to index
      %parallel_loop3A_174 = arith.constant 96 : index
      %parallel_loop3A_175 = tpu.vector_load %arg8[%parallel_loop3A_173, %parallel_loop3A_174] {strides = array<i32>} : memref<200x128xf32, #tpu.memory_space<vmem>>, vector<16xf32>,
      %parallel_loop3A_176 = arith.mulf %parallel_loop3A_175, %parallel_loop3A_130 : vector<16xf32>
      %parallel_loop3A_177 = arith.index_cast %parallel_loop3A_116 : i32 to index
      %parallel_loop3A_178 = arith.constant 96 : index
      %parallel_loop3A_179 = tpu.vector_load %arg10[%parallel_loop3A_177, %parallel_loop3A_178] {strides = array<i32>} : memref<200x128xf32, #tpu.memory_space<vmem>>, vector<16xf32>,
      tpu.vector_store %arg10[%parallel_loop3A_177, %parallel_loop3A_178], %parallel_loop3A_176 {strides = array<i32>} : memref<200x128xf32, #tpu.memory_space<vmem>>, vector<16xf32>,
      %parallel_loop3A_180 = arith.index_cast %parallel_loop3A_116 : i32 to index
      %parallel_loop3A_181 = arith.constant 112 : index
      %parallel_loop3A_182 = tpu.vector_load %arg8[%parallel_loop3A_180, %parallel_loop3A_181] {strides = array<i32>} : memref<200x128xf32, #tpu.memory_space<vmem>>, vector<16xf32>,
      %parallel_loop3A_183 = arith.mulf %parallel_loop3A_182, %parallel_loop3A_130 : vector<16xf32>
      %parallel_loop3A_184 = arith.index_cast %parallel_loop3A_116 : i32 to index
      %parallel_loop3A_185 = arith.constant 112 : index
      %parallel_loop3A_186 = tpu.vector_load %arg10[%parallel_loop3A_184, %parallel_loop3A_185] {strides = array<i32>} : memref<200x128xf32, #tpu.memory_space<vmem>>, vector<16xf32>,
      tpu.vector_store %arg10[%parallel_loop3A_184, %parallel_loop3A_185], %parallel_loop3A_183 {strides = array<i32>} : memref<200x128xf32, #tpu.memory_space<vmem>>, vector<16xf32>,
    } {sc.loop_unroll_factor = 2 : i64, sc.parallel_access}
    %add3A_77 = arith.constant 9600 : i32
    %add3A_78 = arith.addi %mul3A_2, %add3A_77 : i32
    %dma_start3A_79 = arith.constant 0 : i32
    %dma_start3A_80 = tpu.memref_slice %arg5[%add3A_78, %dma_start3A_79] : memref<320000x128xf32, #tpu.memory_space<hbm>> -> memref<200x128xf32, #tpu.memory_space<hbm>>
    %dma_start3A_81 = arith.constant 0 : i32
    %dma_start3A_82 = tpu.memref_slice %arg5[%add3A_78, %dma_start3A_81] : memref<320000x128xf32, #tpu.memory_space<hbm>> -> memref<200x128xf32, #tpu.memory_space<hbm>>
    tpu.enqueue_dma source(%arg10 : memref<200x128xf32, #tpu.memory_space<vmem>>) target(%dma_start3A_82 : memref<200x128xf32, #tpu.memory_space<hbm>>) target_semaphore(%arg14 : memref<!tpu.dma_semaphore, #tpu.memory_space<semaphore_mem>>)
    %add3A_83 = arith.constant 9800 : i32
    %add3A_84 = arith.addi %mul3A_2, %add3A_83 : i32
    %dma_wait3A_85 = arith.constant 0 : i32
    %dma_wait3A_86 = tpu.memref_slice %arg4[%add3A_84, %dma_wait3A_85] : memref<320000x128xf32, #tpu.memory_space<hbm>> -> memref<200x128xf32, #tpu.memory_space<hbm>>
    %dma_wait3A_87 = arith.constant 0 : i32
    %dma_wait3A_88 = tpu.memref_slice %arg4[%add3A_84, %dma_wait3A_87] : memref<320000x128xf32, #tpu.memory_space<hbm>> -> memref<200x128xf32, #tpu.memory_space<hbm>>
    tpu.wait_dma2 semaphore(%arg13 : memref<!tpu.dma_semaphore, #tpu.memory_space<semaphore_mem>>) src(%dma_wait3A_88 : memref<200x128xf32, #tpu.memory_space<hbm>>) dst(%arg9 : memref<200x128xf32, #tpu.memory_space<vmem>>)
    %add3A_89 = arith.constant 9400 : i32
    %add3A_90 = arith.addi %mul3A_2, %add3A_89 : i32
    %dma_wait3A_91 = arith.constant 0 : i32
    %dma_wait3A_92 = tpu.memref_slice %arg5[%add3A_90, %dma_wait3A_91] : memref<320000x128xf32, #tpu.memory_space<hbm>> -> memref<200x128xf32, #tpu.memory_space<hbm>>
    %dma_wait3A_93 = arith.constant 0 : i32
    %dma_wait3A_94 = tpu.memref_slice %arg5[%add3A_90, %dma_wait3A_93] : memref<320000x128xf32, #tpu.memory_space<hbm>> -> memref<200x128xf32, #tpu.memory_space<hbm>>
    tpu.wait_dma2 semaphore(%arg15 : memref<!tpu.dma_semaphore, #tpu.memory_space<semaphore_mem>>) src(%arg11 : memref<200x128xf32, #tpu.memory_space<vmem>>) dst(%dma_wait3A_94 : memref<200x128xf32, #tpu.memory_space<hbm>>)
    %parallel_loop3A_95 = arith.constant 0 : i32
    %parallel_loop3A_96 = arith.constant 200 : i32
    %parallel_loop3A_97 = arith.constant 1 : i32
    scf.for %parallel_loop3A_116 = %parallel_loop3A_95 to %parallel_loop3A_96 step %parallel_loop3A_97  : i32 {
      %parallel_loop3A_117 = arith.constant 4 : i32
      %parallel_loop3A_118 = arith.shrsi %parallel_loop3A_116, %parallel_loop3A_117 : i32
      %parallel_loop3A_119 = arith.constant 4 : i32
      %parallel_loop3A_120 = arith.shli %parallel_loop3A_118, %parallel_loop3A_119 : i32
      %parallel_loop3A_121 = arith.constant 9800 : i32
      %parallel_loop3A_122 = arith.addi %parallel_loop3A_121, %parallel_loop3A_120 : i32
      %parallel_loop3A_123 = arith.index_cast %parallel_loop3A_122 : i32 to index
      %parallel_loop3A_124 = tpu.vector_load %arg7[%parallel_loop3A_123] {strides = array<i32>} : memref<10000xi32, #tpu.memory_space<vmem>>, vector<16xi32>,
      %parallel_loop3A_125 = vector.bitcast %parallel_loop3A_124 : vector<16xi32> to vector<16xf32>
      %parallel_loop3A_126 = arith.constant 15 : i32
      %parallel_loop3A_127 = arith.andi %parallel_loop3A_116, %parallel_loop3A_126 : i32
      %parallel_loop3A_128 = vector.broadcast %parallel_loop3A_127 : i32 to vector<16x1xi32>
      %parallel_loop3A_129 = vector.shape_cast %parallel_loop3A_128 : vector<16x1xi32> to vector<16xi32>
      %parallel_loop3A_130 = tpu.dynamic_gather %parallel_loop3A_125[%parallel_loop3A_129] in [0] : vector<16xf32>, vector<16xi32> -> vector<16xf32>
      %parallel_loop3A_131 = arith.index_cast %parallel_loop3A_116 : i32 to index
      %parallel_loop3A_132 = arith.constant 0 : index
      %parallel_loop3A_133 = tpu.vector_load %arg9[%parallel_loop3A_131, %parallel_loop3A_132] {strides = array<i32>} : memref<200x128xf32, #tpu.memory_space<vmem>>, vector<16xf32>,
      %parallel_loop3A_134 = arith.mulf %parallel_loop3A_133, %parallel_loop3A_130 : vector<16xf32>
      %parallel_loop3A_135 = arith.index_cast %parallel_loop3A_116 : i32 to index
      %parallel_loop3A_136 = arith.constant 0 : index
      %parallel_loop3A_137 = tpu.vector_load %arg11[%parallel_loop3A_135, %parallel_loop3A_136] {strides = array<i32>} : memref<200x128xf32, #tpu.memory_space<vmem>>, vector<16xf32>,
      tpu.vector_store %arg11[%parallel_loop3A_135, %parallel_loop3A_136], %parallel_loop3A_134 {strides = array<i32>} : memref<200x128xf32, #tpu.memory_space<vmem>>, vector<16xf32>,
      %parallel_loop3A_138 = arith.index_cast %parallel_loop3A_116 : i32 to index
      %parallel_loop3A_139 = arith.constant 16 : index
      %parallel_loop3A_140 = tpu.vector_load %arg9[%parallel_loop3A_138, %parallel_loop3A_139] {strides = array<i32>} : memref<200x128xf32, #tpu.memory_space<vmem>>, vector<16xf32>,
      %parallel_loop3A_141 = arith.mulf %parallel_loop3A_140, %parallel_loop3A_130 : vector<16xf32>
      %parallel_loop3A_142 = arith.index_cast %parallel_loop3A_116 : i32 to index
      %parallel_loop3A_143 = arith.constant 16 : index
      %parallel_loop3A_144 = tpu.vector_load %arg11[%parallel_loop3A_142, %parallel_loop3A_143] {strides = array<i32>} : memref<200x128xf32, #tpu.memory_space<vmem>>, vector<16xf32>,
      tpu.vector_store %arg11[%parallel_loop3A_142, %parallel_loop3A_143], %parallel_loop3A_141 {strides = array<i32>} : memref<200x128xf32, #tpu.memory_space<vmem>>, vector<16xf32>,
      %parallel_loop3A_145 = arith.index_cast %parallel_loop3A_116 : i32 to index
      %parallel_loop3A_146 = arith.constant 32 : index
      %parallel_loop3A_147 = tpu.vector_load %arg9[%parallel_loop3A_145, %parallel_loop3A_146] {strides = array<i32>} : memref<200x128xf32, #tpu.memory_space<vmem>>, vector<16xf32>,
      %parallel_loop3A_148 = arith.mulf %parallel_loop3A_147, %parallel_loop3A_130 : vector<16xf32>
      %parallel_loop3A_149 = arith.index_cast %parallel_loop3A_116 : i32 to index
      %parallel_loop3A_150 = arith.constant 32 : index
      %parallel_loop3A_151 = tpu.vector_load %arg11[%parallel_loop3A_149, %parallel_loop3A_150] {strides = array<i32>} : memref<200x128xf32, #tpu.memory_space<vmem>>, vector<16xf32>,
      tpu.vector_store %arg11[%parallel_loop3A_149, %parallel_loop3A_150], %parallel_loop3A_148 {strides = array<i32>} : memref<200x128xf32, #tpu.memory_space<vmem>>, vector<16xf32>,
      %parallel_loop3A_152 = arith.index_cast %parallel_loop3A_116 : i32 to index
      %parallel_loop3A_153 = arith.constant 48 : index
      %parallel_loop3A_154 = tpu.vector_load %arg9[%parallel_loop3A_152, %parallel_loop3A_153] {strides = array<i32>} : memref<200x128xf32, #tpu.memory_space<vmem>>, vector<16xf32>,
      %parallel_loop3A_155 = arith.mulf %parallel_loop3A_154, %parallel_loop3A_130 : vector<16xf32>
      %parallel_loop3A_156 = arith.index_cast %parallel_loop3A_116 : i32 to index
      %parallel_loop3A_157 = arith.constant 48 : index
      %parallel_loop3A_158 = tpu.vector_load %arg11[%parallel_loop3A_156, %parallel_loop3A_157] {strides = array<i32>} : memref<200x128xf32, #tpu.memory_space<vmem>>, vector<16xf32>,
      tpu.vector_store %arg11[%parallel_loop3A_156, %parallel_loop3A_157], %parallel_loop3A_155 {strides = array<i32>} : memref<200x128xf32, #tpu.memory_space<vmem>>, vector<16xf32>,
      %parallel_loop3A_159 = arith.index_cast %parallel_loop3A_116 : i32 to index
      %parallel_loop3A_160 = arith.constant 64 : index
      %parallel_loop3A_161 = tpu.vector_load %arg9[%parallel_loop3A_159, %parallel_loop3A_160] {strides = array<i32>} : memref<200x128xf32, #tpu.memory_space<vmem>>, vector<16xf32>,
      %parallel_loop3A_162 = arith.mulf %parallel_loop3A_161, %parallel_loop3A_130 : vector<16xf32>
      %parallel_loop3A_163 = arith.index_cast %parallel_loop3A_116 : i32 to index
      %parallel_loop3A_164 = arith.constant 64 : index
      %parallel_loop3A_165 = tpu.vector_load %arg11[%parallel_loop3A_163, %parallel_loop3A_164] {strides = array<i32>} : memref<200x128xf32, #tpu.memory_space<vmem>>, vector<16xf32>,
      tpu.vector_store %arg11[%parallel_loop3A_163, %parallel_loop3A_164], %parallel_loop3A_162 {strides = array<i32>} : memref<200x128xf32, #tpu.memory_space<vmem>>, vector<16xf32>,
      %parallel_loop3A_166 = arith.index_cast %parallel_loop3A_116 : i32 to index
      %parallel_loop3A_167 = arith.constant 80 : index
      %parallel_loop3A_168 = tpu.vector_load %arg9[%parallel_loop3A_166, %parallel_loop3A_167] {strides = array<i32>} : memref<200x128xf32, #tpu.memory_space<vmem>>, vector<16xf32>,
      %parallel_loop3A_169 = arith.mulf %parallel_loop3A_168, %parallel_loop3A_130 : vector<16xf32>
      %parallel_loop3A_170 = arith.index_cast %parallel_loop3A_116 : i32 to index
      %parallel_loop3A_171 = arith.constant 80 : index
      %parallel_loop3A_172 = tpu.vector_load %arg11[%parallel_loop3A_170, %parallel_loop3A_171] {strides = array<i32>} : memref<200x128xf32, #tpu.memory_space<vmem>>, vector<16xf32>,
      tpu.vector_store %arg11[%parallel_loop3A_170, %parallel_loop3A_171], %parallel_loop3A_169 {strides = array<i32>} : memref<200x128xf32, #tpu.memory_space<vmem>>, vector<16xf32>,
      %parallel_loop3A_173 = arith.index_cast %parallel_loop3A_116 : i32 to index
      %parallel_loop3A_174 = arith.constant 96 : index
      %parallel_loop3A_175 = tpu.vector_load %arg9[%parallel_loop3A_173, %parallel_loop3A_174] {strides = array<i32>} : memref<200x128xf32, #tpu.memory_space<vmem>>, vector<16xf32>,
      %parallel_loop3A_176 = arith.mulf %parallel_loop3A_175, %parallel_loop3A_130 : vector<16xf32>
      %parallel_loop3A_177 = arith.index_cast %parallel_loop3A_116 : i32 to index
      %parallel_loop3A_178 = arith.constant 96 : index
      %parallel_loop3A_179 = tpu.vector_load %arg11[%parallel_loop3A_177, %parallel_loop3A_178] {strides = array<i32>} : memref<200x128xf32, #tpu.memory_space<vmem>>, vector<16xf32>,
      tpu.vector_store %arg11[%parallel_loop3A_177, %parallel_loop3A_178], %parallel_loop3A_176 {strides = array<i32>} : memref<200x128xf32, #tpu.memory_space<vmem>>, vector<16xf32>,
      %parallel_loop3A_180 = arith.index_cast %parallel_loop3A_116 : i32 to index
      %parallel_loop3A_181 = arith.constant 112 : index
      %parallel_loop3A_182 = tpu.vector_load %arg9[%parallel_loop3A_180, %parallel_loop3A_181] {strides = array<i32>} : memref<200x128xf32, #tpu.memory_space<vmem>>, vector<16xf32>,
      %parallel_loop3A_183 = arith.mulf %parallel_loop3A_182, %parallel_loop3A_130 : vector<16xf32>
      %parallel_loop3A_184 = arith.index_cast %parallel_loop3A_116 : i32 to index
      %parallel_loop3A_185 = arith.constant 112 : index
      %parallel_loop3A_186 = tpu.vector_load %arg11[%parallel_loop3A_184, %parallel_loop3A_185] {strides = array<i32>} : memref<200x128xf32, #tpu.memory_space<vmem>>, vector<16xf32>,
      tpu.vector_store %arg11[%parallel_loop3A_184, %parallel_loop3A_185], %parallel_loop3A_183 {strides = array<i32>} : memref<200x128xf32, #tpu.memory_space<vmem>>, vector<16xf32>,
    } {sc.loop_unroll_factor = 2 : i64, sc.parallel_access}
    %add3A_98 = arith.constant 9800 : i32
    %add3A_99 = arith.addi %mul3A_2, %add3A_98 : i32
    %dma_start3A_100 = arith.constant 0 : i32
    %dma_start3A_101 = tpu.memref_slice %arg5[%add3A_99, %dma_start3A_100] : memref<320000x128xf32, #tpu.memory_space<hbm>> -> memref<200x128xf32, #tpu.memory_space<hbm>>
    %dma_start3A_102 = arith.constant 0 : i32
    %dma_start3A_103 = tpu.memref_slice %arg5[%add3A_99, %dma_start3A_102] : memref<320000x128xf32, #tpu.memory_space<hbm>> -> memref<200x128xf32, #tpu.memory_space<hbm>>
    tpu.enqueue_dma source(%arg11 : memref<200x128xf32, #tpu.memory_space<vmem>>) target(%dma_start3A_103 : memref<200x128xf32, #tpu.memory_space<hbm>>) target_semaphore(%arg15 : memref<!tpu.dma_semaphore, #tpu.memory_space<semaphore_mem>>)
    %add3A_104 = arith.constant 9600 : i32
    %add3A_105 = arith.addi %mul3A_2, %add3A_104 : i32
    %dma_wait3A_106 = arith.constant 0 : i32
    %dma_wait3A_107 = tpu.memref_slice %arg5[%add3A_105, %dma_wait3A_106] : memref<320000x128xf32, #tpu.memory_space<hbm>> -> memref<200x128xf32, #tpu.memory_space<hbm>>
    %dma_wait3A_108 = arith.constant 0 : i32
    %dma_wait3A_109 = tpu.memref_slice %arg5[%add3A_105, %dma_wait3A_108] : memref<320000x128xf32, #tpu.memory_space<hbm>> -> memref<200x128xf32, #tpu.memory_space<hbm>>
    tpu.wait_dma2 semaphore(%arg14 : memref<!tpu.dma_semaphore, #tpu.memory_space<semaphore_mem>>) src(%arg10 : memref<200x128xf32, #tpu.memory_space<vmem>>) dst(%dma_wait3A_109 : memref<200x128xf32, #tpu.memory_space<hbm>>)
    %add3A_110 = arith.constant 9800 : i32
    %add3A_111 = arith.addi %mul3A_2, %add3A_110 : i32
    %dma_wait3A_112 = arith.constant 0 : i32
    %dma_wait3A_113 = tpu.memref_slice %arg5[%add3A_111, %dma_wait3A_112] : memref<320000x128xf32, #tpu.memory_space<hbm>> -> memref<200x128xf32, #tpu.memory_space<hbm>>
    %dma_wait3A_114 = arith.constant 0 : i32
    %dma_wait3A_115 = tpu.memref_slice %arg5[%add3A_111, %dma_wait3A_114] : memref<320000x128xf32, #tpu.memory_space<hbm>> -> memref<200x128xf32, #tpu.memory_space<hbm>>
    tpu.wait_dma2 semaphore(%arg15 : memref<!tpu.dma_semaphore, #tpu.memory_space<semaphore_mem>>) src(%arg11 : memref<200x128xf32, #tpu.memory_space<vmem>>) dst(%dma_wait3A_115 : memref<200x128xf32, #tpu.memory_space<hbm>>)
    return
  }
}

module attributes {stable_mosaic.version = 14 : i64} {
  func.func @_mlp_body(%arg0: memref<10000x128xf32, #tpu.memory_space<vmem>>, %arg1: memref<128x128xf32, #tpu.memory_space<vmem>>, %arg2: memref<1x128xf32, #tpu.memory_space<vmem>>, %arg3: memref<128x1xf32, #tpu.memory_space<vmem>>, %arg4: memref<1x1xf32, #tpu.memory_space<vmem>>, %arg5: memref<10000x1xf32, #tpu.memory_space<vmem>>) attributes {dimension_semantics = [], scalar_prefetch = 0 : i64, scratch_operands = 0 : i64, tpu.core_type = #tpu.core_type<tc>} {
    %get3A = arith.constant 0 : index
    %get3A_0 = arith.constant 0 : index
    %get3A_1 = vector.load %arg0[%get3A, %get3A_0] : memref<10000x128xf32, #tpu.memory_space<vmem>>, vector<10000x128xf32>
    %get3A_2 = arith.constant 0 : index
    %get3A_3 = arith.constant 0 : index
    %get3A_4 = vector.load %arg1[%get3A_2, %get3A_3] : memref<128x128xf32, #tpu.memory_space<vmem>>, vector<128x128xf32>
    %dot_general3A = arith.constant dense<0.000000e+00> : vector<10000x128xf32>
    %dot_general3A_5 = tpu.matmul %get3A_1, %get3A_4, %dot_general3A {dimension_numbers = #tpu.dot_dimension_numbers<[1], [0], [0], [1], [0, 0, 1, 1], [], []>, transpose_lhs_hint = false} : vector<10000x128xf32>, vector<128x128xf32>, vector<10000x128xf32> -> vector<10000x128xf32>
    %get3A_6 = arith.constant 0 : index
    %get3A_7 = arith.constant 0 : index
    %get3A_8 = vector.load %arg2[%get3A_6, %get3A_7] : memref<1x128xf32, #tpu.memory_space<vmem>>, vector<1x128xf32>
    %add3A = vector.broadcast %get3A_8 : vector<1x128xf32> to vector<10000x128xf32>
    %add3A_9 = arith.addf %dot_general3A_5, %add3A : vector<10000x128xf32>
    %logistic3A = arith.negf %add3A_9 : vector<10000x128xf32>
    %logistic3A_10 = math.exp %logistic3A : vector<10000x128xf32>
    %logistic3A_11 = arith.constant 1.000000e+00 : f32
    %logistic3A_12 = vector.broadcast %logistic3A_11 : f32 to vector<10000x128xf32>
    %logistic3A_13 = arith.addf %logistic3A_12, %logistic3A_10 : vector<10000x128xf32>
    %logistic3A_14 = arith.divf %logistic3A_12, %logistic3A_13 : vector<10000x128xf32>
    %mul3A = arith.mulf %add3A_9, %logistic3A_14 : vector<10000x128xf32>
    %get3A_15 = arith.constant 0 : index
    %get3A_16 = arith.constant 0 : index
    %get3A_17 = vector.load %arg3[%get3A_15, %get3A_16] : memref<128x1xf32, #tpu.memory_space<vmem>>, vector<128x1xf32>
    %dot_general3A_18 = arith.constant dense<0.000000e+00> : vector<10000x1xf32>
    %dot_general3A_19 = tpu.matmul %mul3A, %get3A_17, %dot_general3A_18 {dimension_numbers = #tpu.dot_dimension_numbers<[1], [0], [0], [1], [0, 0, 1, 1], [], []>, transpose_lhs_hint = false} : vector<10000x128xf32>, vector<128x1xf32>, vector<10000x1xf32> -> vector<10000x1xf32>
    %get3A_20 = arith.constant 0 : index
    %get3A_21 = arith.constant 0 : index
    %get3A_22 = vector.load %arg4[%get3A_20, %get3A_21] : memref<1x1xf32, #tpu.memory_space<vmem>>, vector<1x1xf32>
    %add3A_23 = vector.broadcast %get3A_22 : vector<1x1xf32> to vector<10000x1xf32>
    %add3A_24 = arith.addf %dot_general3A_19, %add3A_23 : vector<10000x1xf32>
    %swap3A = arith.constant 0 : index
    %swap3A_25 = arith.constant 0 : index
    %swap3A_26 = vector.load %arg5[%swap3A, %swap3A_25] : memref<10000x1xf32, #tpu.memory_space<vmem>>, vector<10000x1xf32>
    tpu.vector_store %arg5[%swap3A, %swap3A_25], %add3A_24 {strides = array<i32>} : memref<10000x1xf32, #tpu.memory_space<vmem>>, vector<10000x1xf32>,
    return
  }
}

</mosaic_0001>

<sc_bundles>
// kernel: kernel.5.cloned.1.call-start
scs
__scs_entry_jumppad:
0x0: {  	(pc) =	sbr.rel $0x88, $3  }
0x1: {  	(tag) =	ssettag $0x0;
	lr =	simm.s32 $0x1  }
0x2: {  	[smem:$0x3F9A] =	sst lr;
	_ =	strace $0xD0000000  }
0x3: {  	_ = 	snop  }
0x4: {  	_ = 	snop  }
0x5: {  	_ = 	snop  }
0x6: {  	_ = 	snop  }
0x7: {  	_ = 	snop  }
__scs_overlays_trampoline_lowered:
0x8: {  	[smem:$0x3FA9] =	sst s0  }
0x9: {  	[smem:$0x3FAA] =	sst s1  }
0xa: {  	[smem:$0x3FAB] =	sst s2  }
0xb: {  	[smem:$0x3FAC] =	sst s3  }
0xc: {  	[smem:$0x3FAD] =	sst s4  }
0xd: {  	[smem:$0x3FAE] =	sst s5  }
0xe: {  	[smem:$0x3FAF] =	sst s6  }
0xf: {  	[smem:$0x3FB0] =	sst s7  }
0x10: {  	[smem:$0x3FB1] =	sst s8  }
0x11: {  	[smem:$0x3FB2] =	sst s9;
	s0 =	simm.s32 @!p0 $0x0  }
0x12: {  	s1 =	sld [smem:$0x3F98];
	s0 =	simm.s32 @p0 $0x1  }
0x13: {  	[smem:$0x3FB3] =	sst s0;
	s0 =	simm.s32 @!p1 $0x0  }
0x14: {  	s2 =	sld [smem:$0x3F97];
	s0 =	simm.s32 @p1 $0x1  }
0x15: {  	[smem:$0x3FB4] =	sst s0;
	s0 =	simm.s32 @!p2 $0x0  }
0x16: {  	s3 =	sld [smem:$0x3FDB];
	s0 =	simm.s32 @p2 $0x1  }
0x17: {  	s4 =	simm.s32 $0x1BF5;
	[smem:$0x3FB6] =	sst s0  }
0x18: {  	s0 =	sld [smem:$0x3F99];
	_ =	swait.ge [sflag:s4], $0x0  }
0x19: {  	s7 =	sld [smem:$0x3F9A]  }
0x1a: {  	s8 =	sadd.s32 $0xFFFFE003, lr  }
0x1b: {  	s9 =	sadd.s32 $0xFFFFFEF7, lr;
	s5 =	simm.s32 $0xFFFFFFFF;
	p2 =	slt.u32 s8, $0xFFFFF086  }
0x1c: {  	p1 =	slt.u32 s9, $0xF7A;
	s5 =	simm.s32 @!p2 $0x0  }
0x1d: {  	s5 =	simm.s32 @p1 $0x1;
	p0 =	seq.s32 s7, s2  }
0x1e: {  	s7 =	smul.u32 @!p0 $0xF7A, s2;
	p2 =	seq.s32 @!p0 s5, $0x0  }
0x1f: {  	s9 =	smul.u32 $0xF7A, s1;
	s8 =	simm.s32 @!p0 $0x1BF5;
	p2 =	por !p2, p0  }
0x20: {  	[sflag:s8] =	ssyncset.s32 @!p0 $0xFFFFF086;
	s6 =	sadd.s32 @!p0 s3, s7;
	s7 =	simm.s32 @!p0 $0x108  }
0x21: {  	s3 =	sadd.s32 s3, s9;
	s6 =	sadd.s32 @!p0 $0x88, s6;
	s7 =	simm.s32 @p2 $0x1082  }
0x22: {  	[simem:s7], [sflag:s8] =	dma.local @!p0 [hbm:s6], $0xF7A  }
0x23: {  	s9 =	sor.u32 $0xD0000000, s2;
	s6 =	simm.s32 $0x108;
	_ =	swait.ge @!p0 [sflag:s8], $0x0  }
0x24: {  	s3 =	sadd.s32 $0x88, s3;
	s6 =	simm.s32 @!p1 $0x1082;
	[sflag:s4] =	ssyncset.s32 $0xFFFFF086  }
0x25: {  	[simem:s6], [sflag:s4] =	dma.local [hbm:s3], $0xF7A  }
0x26: {  	[smem:$0x3F9A] =	sst s1;
	(tag) =	ssettag s2;
	_ =	strace s9  }
0x27: {  	s1 =	sld [smem:$0x3FAA]  }
0x28: {  	s2 =	sld [smem:$0x3FAB]  }
0x29: {  	s4 =	sld [smem:$0x3FAD]  }
0x2a: {  	p0 =	seq.s32 s5, $0x0;
	s5 =	sld [smem:$0x3FAE]  }
0x2b: {  	s6 =	sld [smem:$0x3FAF]  }
0x2c: {  	s7 =	sld [smem:$0x3FB0]  }
0x2d: {  	s3 =	simm.s32 $0x108;
	s8 =	sld [smem:$0x3FB1]  }
0x2e: {  	s3 =	simm.s32 @!p0 $0x1082;
	s9 =	sld [smem:$0x3FB2]  }
0x2f: {  	lr =	sadd.s32 s0, s3;
	s0 =	sld [smem:$0x3FA9]  }
0x30: {  	s3 =	sld [smem:$0x3FAC]  }
0x31: {  	[smem:$0x3FB5] =	sst s10  }
0x32: {  	s10 =	sld [smem:$0x3FB3];
	_ =	sdelay $0x3  }
0x33: {  	p0 =	seq.s32 s10, $0x1;
	s10 =	sld [smem:$0x3FB5];
	_ =	sdelay $0x3  }
0x34: {  	[smem:$0x3FB5] =	sst s10  }
0x35: {  	s10 =	sld [smem:$0x3FB4];
	_ =	sdelay $0x3  }
0x36: {  	p1 =	seq.s32 s10, $0x1;
	s10 =	sld [smem:$0x3FB5];
	_ =	sdelay $0x3  }
0x37: {  	[smem:$0x3FB5] =	sst s10  }
0x38: {  	s10 =	sld [smem:$0x3FB6]  }
0x39: {  	_ = 	snop;
	(pc) =	sbr.ind lr, $3  }
0x3a: {  	_ = 	snop  }
0x3b: {  	_ = 	snop  }
0x3c: {  	p2 =	seq.s32 s10, $0x1;
	s10 =	sld [smem:$0x3FB5]  }
0x3d: {  	_ =	shalt  }
0x3e: {  	_ =	shalt  }
0x3f: {  	_ =	shalt  }
0x40: {  	_ =	shalt  }
0x41: {  	_ =	shalt  }
0x42: {  	_ =	shalt  }
0x43: {  	_ =	shalt  }
0x44: {  	_ =	shalt  }
0x45: {  	_ =	shalt  }
0x46: {  	_ =	shalt  }
0x47: {  	_ =	shalt  }
0x48: {  	_ =	shalt  }
0x49: {  	_ =	shalt  }
0x4a: {  	_ =	shalt  }
0x4b: {  	_ =	shalt  }
0x4c: {  	_ =	shalt  }
0x4d: {  	_ =	shalt  }
0x4e: {  	_ =	shalt  }
0x4f: {  	_ =	shalt  }
0x50: {  	_ =	shalt  }
0x51: {  	_ =	shalt  }
0x52: {  	_ =	shalt  }
0x53: {  	_ =	shalt  }
0x54: {  	_ =	shalt  }
0x55: {  	_ =	shalt  }
0x56: {  	_ =	shalt  }
0x57: {  	_ =	shalt  }
0x58: {  	_ =	shalt  }
0x59: {  	_ =	shalt  }
0x5a: {  	_ =	shalt  }
0x5b: {  	_ =	shalt  }
0x5c: {  	_ =	shalt  }
0x5d: {  	_ =	shalt  }
0x5e: {  	_ =	shalt  }
0x5f: {  	_ =	shalt  }
0x60: {  	_ =	shalt  }
0x61: {  	_ =	shalt  }
0x62: {  	_ =	shalt  }
0x63: {  	_ =	shalt  }
0x64: {  	_ =	shalt  }
0x65: {  	_ =	shalt  }
0x66: {  	_ =	shalt  }
0x67: {  	_ =	shalt  }
0x68: {  	_ =	shalt  }
0x69: {  	_ =	shalt  }
0x6a: {  	_ =	shalt  }
0x6b: {  	_ =	shalt  }
0x6c: {  	_ =	shalt  }
0x6d: {  	_ =	shalt  }
0x6e: {  	_ =	shalt  }
0x6f: {  	_ =	shalt  }
0x70: {  	_ =	shalt  }
0x71: {  	_ =	shalt  }
0x72: {  	_ =	shalt  }
0x73: {  	_ =	shalt  }
0x74: {  	_ =	shalt  }
0x75: {  	_ =	shalt  }
0x76: {  	_ =	shalt  }
0x77: {  	_ =	shalt  }
0x78: {  	_ =	shalt  }
0x79: {  	_ =	shalt  }
0x7a: {  	_ =	shalt  }
0x7b: {  	_ =	shalt  }
0x7c: {  	_ =	shalt  }
0x7d: {  	_ =	shalt  }
0x7e: {  	_ =	shalt  }
0x7f: {  	_ =	shalt  }
0x80: {  	_ =	shalt  }
0x81: {  	_ =	shalt  }
0x82: {  	_ =	shalt  }
0x83: {  	_ =	shalt  }
0x84: {  	_ =	shalt  }
0x85: {  	_ =	shalt  }
0x86: {  	_ =	shalt  }
0x87: {  	_ =	shalt  }
.Lfunc_end0:
.L_simem_size_0:
called_computation_lowered:
.L_overlay_start_0:
0x88: {  	s2 =	sld [smem:$0x3FD9]  }
0x89: {  	s3 =	sld [smem:$0x3FFE];
	_ =	sdelay $0x1  }
0x8a: {  	s1 =	srdreg.scid  }
0x8b: {  	s0 =	sand.u32 $0x1, s1  }
0x8c: {  	s17 =	sshll.u32 s0, $0xA;
	s2 =	sadd.s32 s3, s2  }
0x8d: {  	s2 =	sadd.s32 s2, s17  }
0x8e: {  	[smem:$0x3FC1] =	sst s2  }
0x8f: {  	_ = 	snop  }
0x90: {  	s2 =	sld [smem:$0x3FD0];
	(tm) =	ssettm $0x1  }
0x91: {  	s18 =	sld [smem:$0x3FFB];
	_ =	sdelay $0x3  }
0x92: {  	_ =	strace s18  }
0x93: {  	s3 =	sld [smem:$0x3FFC];
	_ =	sdelay $0x3  }
0x94: {  	_ =	strace s3  }
0x95: {  	s3 =	sld [smem:$0x3FFD];
	_ =	sdelay $0x3  }
0x96: {  	_ =	strace s3  }
0x97: {  	_ =	strace $0x8FFFFFFF  }
0x98: {  	s19 =	sld [smem:$0x3FDB];
	_ =	sdelay $0x1  }
0x99: {  	s4 =	simm.s32 $_scs_section_size  }
0x9a: {  	s5 =	simm.s32 $_size__tile_overlayer_lowered;
	s6 =	simm.s32 $_tile_overlayer_lowered  }
0x9b: {  	s22 =	simm.s32 $0x1BFF;
	s21 =	sshll.u32 s6, $0x1;
	s3 =	sadd.s32 s4, s19  }
0x9c: {  	s7 =	simm.s32 $0x0;
	s20 =	sshll.u32 s5, $0x1;
	s5 =	sadd.s32 s21, s3  }
0x9d: {  	[timem:s7], [sflag:s22] =	dma.local [hbm:s5], s20  }
0x9e: {  	_ =	swait.ge [sflag:s22], s20  }
0x9f: {  	s4 =	ssub.s32 $0x0, s20;
	[sflag:s22] =	ssyncset.done $0x0  }
0xa0: {  	[sflag:s22] =	ssyncadd.s32 s4;
	_ =	sdelay $0x1  }
0xa1: {  	s23 =	simm.s32 $0x1B8B  }
0xa2: {  	_ =	swait.ge [sflag:s23], $0x1  }
0xa3: {  	[sflag:s23] =	ssyncset.done $0x0  }
0xa4: {  	s25 =	simm.s32 $0x1B8E;
	s24 =	sld [smem:$0x3FFE];
	[sflag:s23] =	ssyncadd.s32 $0xFFFFFFFF  }
0xa5: {  	s26 =	simm.s32 $execute0_lowered;
	[smem:$0x3FD2] =	sst s25  }
0xa6: {  	s5 =	sshll.u32 s26, $0x1;
	_ =	strace $0x80000046;
	[dreg:$0x1] =	wrdreg $0xFFFFFFFF  }
0xa7: {  	s28 =	simm.s32 $_size_execute0_lowered;
	s3 =	sadd.s32 s3, s5;
	[dreg:$0x0] =	wrdreg $0x0  }
0xa8: {  	s5 =	sshll.u32 s28, $0x1;
	[dreg:$0x2] =	wrdreg s3  }
0xa9: {  	[dreg:$0x3] =	wrdreg s5  }
0xaa: {  	[dreg:$0x4] =	wrdreg $0xC0  }
0xab: {  	_ =	task [dreg:s7], $0x5FFFF  }
0xac: {  	[dreg:$0x1] =	wrdreg $0xFFFFFFFF  }
0xad: {  	[dreg:$0x0] =	wrdreg $0x60  }
0xae: {  	[dreg:$0x2] =	wrdreg s24  }
0xaf: {  	[dreg:$0x3] =	wrdreg s2  }
0xb0: {  	[dreg:$0x4] =	wrdreg $0x9  }
0xb1: {  	_ =	task.clear_ibuf [dreg:s7], $0x5FFFF;
	_ =	strace $0x90000046  }
0xb2: {  	s29 =	simm.s32 $0x9;
	_ =	strace $0x80000048  }
0xb3: {  	_ =	swait.ge [sflag:s29], $0x1  }
0xb4: {  	[sflag:s29] =	ssyncadd.s32 $0xFFFFFFFF  }
0xb5: {  	_ =	strace $0x90000048  }
0xb6: {  	_ =	sfence  }
0xb7: {  	s30 =	sld [smem:$0x0];
	_ =	sdelay $0x2  }
0xb8: {  	s31 =	sshll.u32 s1, $0xD;
	s1 =	sshrl.u32 s1, $0x2  }
0xb9: {  	s3 =	sand.u32 $0x4000, s31;
	s1 =	sadd.s32 s1, s30  }
0xba: {  	s0 =	sor.u32 s3, s0;
	s1 =	sshll.u32 s1, $0x11  }
0xbb: {  	s0 =	sor.u32 s1, s0  }
0xbc: {  	s0 =	sadd.s32 $0x8F2B, s0  }
0xbd: {  	[sflag:s0] =	ssyncadd.remote.s32 $0x1  }
0xbe: {  	_ =	sfence.sel $0xFFFF  }
0xbf: {  	[dreg:$0x0] =	wrdreg $0xFFFFFFFF;
	(pc) =	sbr.abs _section_cstart, $3  }
0xc0: {  	[dreg:$0x1] =	wrdreg $0xFFFFFFFF  }
0xc1: {  	_ =	task.clear_ibuf [dreg:s7], $0x2FFFF;
	_ =	strace $0x9FFFFFFF  }
0xc2: {  	(tm) =	ssettm $0x7FFFFFFF  }
0xc3: {  	_ =	shalt  }
tec
execute0_lowered:
.L_overlay_start_1:
0x0: {  	(tag) =	ssettag $0x1  }
0x1: {  	s0 =	rddreg [dreg:$0x0]  }
0x2: {  	s1 =	srdreg.scid;
	s3 =	stileid.u32  }
0x3: {  	s2 =	rddreg [dreg:$0x1];
	s1 =	sand.u32 $0x1, s1;
	s4 =	sshll.u32 s3, $0x1  }
0x4: {  	s28 =	simm.s32 $0x3;
	s29 =	simm.s32 $0x4;
	s5 =	sor.u32 s1, s4  }
0x5: {  	s30 =	simm.s32 $0x0;
	s3 =	simm.s32 $0x0;
	s4 =	smul.u32 $0x2710, s5  }
0x6: {  	s6 =	sadd.s32 $0x200, s0;
	[smem:$0x7FF] =	sst s3;
	s7 =	smul.u32 $0x138800, s5  }
0x7: {  	s1 =	ssub.s32 $0x2, s1;
	_ =	strace $0x80000047;
	s5 =	smul.u32 $0x27100, s5  }
0x8: {  	[dreg:$0x3] =	wrdreg s6;
	s6 =	sadd.s32 $0x31C00, s0;
	s20 =	sshrl.u32 s1, $0x1  }
0x9: {  	s19 =	sshrl.u32 s4, $0x3;
	s7 =	sshrl.u32 s7, $0x3;
	s21 =	sadd.s32 s6, s5  }
0xa: {  	s5 =	sadd.s32 s2, s5;
	s14 =	sadd.s32 $0x190, s4;
	s15 =	sadd.s32 $0x258, s4  }
0xb: {  	s8 =	sadd.s32 s19, s0;
	[dreg:$0x4] =	wrdreg s21;
	s22 =	sadd.s32 $0xC80, s7  }
0xc: {  	s0 =	ssub.s32 s1, s20;
	[dreg:$0x7] =	wrdreg s5;
	s9 =	sadd.s32 s6, s22  }
0xd: {  	s23 =	sadd.s32 s6, s7;
	s8 =	sadd.s32 $0xC00, s8;
	[dreg:$0x5] =	wrdreg s9  }
0xe: {  	s26 =	sadd.s32 s2, s7;
	s24 =	sadd.s32 $0x1900, s23;
	[dreg:$0x6] =	wrdreg s8  }
0xf: {  	s19 =	simm.s32 $0x4F00;
	s1 =	sadd.s32 s2, s22;
	[dreg:$0x8] =	wrdreg s24  }
0x10: {  	s20 =	simm.s32 $0xB300;
	s25 =	sadd.s32 $0x2580, s23;
	[dreg:$0x9] =	wrdreg s1  }
0x11: {  	s21 =	simm.s32 $0x5;
	s31 =	sadd.s32 $0x25800, s26;
	[dreg:$0xa] =	wrdreg s25  }
0x12: {  	s0 =	smax.u32 s0, $0x1;
	s23 =	simm.s32 $0x1;
	[dreg:$0xb] =	wrdreg s31  }
0x13: {  	s1 =	sadd.s32 $0x26480, s26;
	[dreg:$0xd] =	wrdreg s0;
	s24 =	simm.s32 $0x11700  }
0x14: {  	s25 =	simm.s32 $0x2;
	s26 =	simm.s32 $0x17B00;
	[dreg:$0xc] =	wrdreg s1  }
.LBB2_1:
0x15: {  	s0 =	rddreg [dreg:$0x4]  }
0x16: {  	[tilespmem:s19], [sflag:$0x1] =	stream.linear.gather [hbm4b:s0+s3], $0x6400, $0x38;
	[tilespmem:$0x1DF00] =	vst v63  }
0x17: {  	s18 =	rddreg [dreg:$0x5]  }
0x18: {  	[tilespmem:s20], [sflag:$0x2] =	stream.linear.gather [hbm4b:s18+s3], $0x6400, $0x38;
	[tilespmem:$0x1DF00] =	vst v63  }
0x19: {  	s22 =	rddreg [dreg:$0x3]  }
0x1a: {  	[tilespmem:s3], [sflag:$0x5] =	stream.linear.gather [hbm4b:s22+s3], $0x2780, $0x38;
	[tilespmem:$0x1DF00] =	vst v63  }
0x1b: {  	_ =	swait.ge [sflag:s21], $0x2780  }
0x1c: {  	[sflag:s21] =	ssyncset.done $0x0  }
0x1d: {  	s1 =	simm.s32 $0x2780;
	s31 =	rddreg [dreg:$0x6];
	[sflag:s21] =	ssyncadd.s32 $0xFFFFD880  }
0x1e: {  	[tilespmem:s1], [sflag:$0x5] =	stream.linear.gather [hbm4b:s31+s3], $0x2710, $0x38;
	[tilespmem:$0x1DF00] =	vst v63  }
0x1f: {  	_ =	swait.ge [sflag:s21], $0x2710  }
0x20: {  	[sflag:s21] =	ssyncset.done $0x0  }
0x21: {  	s0 =	simm.s32 $0x27A0;
	[sflag:s21] =	ssyncadd.s32 $0xFFFFD8F0  }
0x22: {  	v0 =	vld [tilespmem:s0+$0x10];
	_ =	sdelay $0x1  }
0x23: {  	v2 =	vld [tilespmem:s0+$0xFFFFFFE0]  }
0x24: {  	v3 =	vld [tilespmem:s0+$0xFFFFFFF0]  }
0x25: {  	s1 =	simm.s32 $0x27E0;
	v7 =	vld [tilespmem:s0+$0x0]  }
0x26: {  	v8 =	vld [tilespmem:s1+$0x10]  }
0x27: {  	v1 =	vld [tilespmem:s1+$0xFFFFFFF0]  }
0x28: {  	v6 =	vld [tilespmem:s1+$0xFFFFFFE0]  }
0x29: {  	v9 =	vld.idx.msk [tilespmem:v0+s3+$0x0], $0xffff  }
0x2a: {  	v0 =	vld [tilespmem:s1+$0x0]  }
0x2b: {  	v5 =	vld.idx.msk [tilespmem:v2+s3+$0x0], $0xffff  }
0x2c: {  	v4 =	vld.idx.msk [tilespmem:v3+s3+$0x0], $0xffff  }
0x2d: {  	v2 =	vld.idx.msk [tilespmem:v7+s3+$0x0], $0xffff  }
0x2e: {  	s5 =	simm.s32 $0x4;
	s7 =	simm.s32 $0x2820;
	v3 =	vld.idx.msk [tilespmem:v8+s3+$0x0], $0xffff;
	[tilespmem:s0+$0x10] =	vst v9  }
.LBB2_2:
0x2f: {  	v7 =	vld [tilespmem:s7+$0x10];
	s5 =	sadd.s32 $0x4, s5  }
0x30: {  	v8 =	vld [tilespmem:s7+$0xFFFFFFF0];
	p0 =	slt.u32 s5, $0x26C;
	[tilespmem:s0+$0xFFFFFFE0] =	vst v5  }
0x31: {  	v9 =	vld [tilespmem:s7+$0x0];
	[tilespmem:s0+$0xFFFFFFF0] =	vst v4  }
0x32: {  	v10 =	vld [tilespmem:s7+$0xFFFFFFE0];
	[tilespmem:s0+$0x0] =	vst v2;
	s0 =	smov.u32 s1;
	s1 =	smov.u32 s7  }
.Ltmp0:
0x33: {  	v5 =	vld.idx.msk [tilespmem:v6+s3+$0x0], $0xffff;
	(pc) =	sbr.rel @p0 .LBB2_2-.Ltmp0, $4  }
0x34: {  	v4 =	vld.idx.msk [tilespmem:v1+s3+$0x0], $0xffff;
	[tilespmem:s0+$0x10] =	vst v3  }
0x35: {  	v2 =	vld.idx.msk [tilespmem:v0+s3+$0x0], $0xffff;
	v1 =	vmov v8  }
0x36: {  	v0 =	vmov v9  }
0x37: {  	s7 =	sadd.s32 $0x40, s7;
	v3 =	vld.idx.msk [tilespmem:v7+s3+$0x0], $0xffff;
	v6 =	vmov v10  }
0x38: {  	_ =	sdelay $0x3  }
0x39: {  	v6 =	vld.idx.msk [tilespmem:v6+s3+$0x0], $0xffff  }
0x3a: {  	[tilespmem:s0+$0xFFFFFFE0] =	vst v5;
	v1 =	vld.idx.msk [tilespmem:v1+s3+$0x0], $0xffff  }
0x3b: {  	v0 =	vld.idx.msk [tilespmem:v0+s3+$0x0], $0xffff;
	[tilespmem:s0+$0xFFFFFFF0] =	vst v4  }
0x3c: {  	[tilespmem:s0+$0x0] =	vst v2  }
0x3d: {  	[tilespmem:s1+$0x10] =	vst v3  }
0x3e: {  	[tilespmem:s1+$0xFFFFFFE0] =	vst v6  }
0x3f: {  	[tilespmem:s1+$0xFFFFFFF0] =	vst v1  }
0x40: {  	[tilespmem:s1+$0x0] =	vst v0  }
0x41: {  	v0 =	vld [tilespmem:$0x4E80];
	_ =	sdelay $0x7  }
0x42: {  	v0 =	vld.idx.msk [tilespmem:v0+s3+$0x0], $0xffff;
	_ =	sdelay $0x4  }
0x43: {  	[tilespmem:$0x4E80] =	vst v0  }
0x44: {  	_ =	swait.ge [sflag:s23], $0x6400  }
0x45: {  	s5 =	simm.s32 $0x0;
	[sflag:s23] =	ssyncset.done $0x0  }
0x46: {  	s13 =	sand.u32 $0xF0, s5;
	[sflag:s23] =	ssyncadd.s32 $0xFFFF9C00  }
0x47: {  	v0 =	vld [tilespmem:s13+$0x2780]  }
0x48: {  	s1 =	simm.s32 $0x4F80  }
0x49: {  	v1 =	vld [tilespmem:s1+$0x0]  }
0x4a: {  	s16 =	simm.s32 $0x1  }
0x4b: {  	v2 =	vmov s16  }
0x4c: {  	v7 =	vperm.xlane v0, v2;
	_ =	sdelay $0x1  }
0x4d: {  	v1 =	vmul.f32 v1, v7  }
0x4e: {  	s0 =	simm.s32 $0x11780;
	v2 =	vld [tilespmem:s1+$0xFFFFFF80]  }
0x4f: {  	s5 =	sand.u32 $0xE, s5;
	[tilespmem:s0+$0x0] =	vst v1  }
0x50: {  	v1 =	vmov s5;
	v3 =	vld [tilespmem:s1+$0x10]  }
0x51: {  	v0 =	vperm.xlane v0, v1;
	_ =	sdelay $0x1  }
0x52: {  	v1 =	vmul.f32 v2, v0;
	_ =	sdelay $0x1  }
0x53: {  	s17 =	simm.s32 $0x2;
	[tilespmem:s0+$0xFFFFFF80] =	vst v1;
	v1 =	vmul.f32 v3, v7  }
0x54: {  	s7 =	sand.u32 $0xF0, s17;
	v2 =	vld [tilespmem:s1+$0xFFFFFF90]  }
0x55: {  	v3 =	vld [tilespmem:s7+$0x2780];
	[tilespmem:s0+$0x10] =	vst v1  }
0x56: {  	s7 =	simm.s32 $0x5080;
	v4 =	vld [tilespmem:s1+$0x20]  }
0x57: {  	v5 =	vld [tilespmem:s7+$0x0]  }
0x58: {  	s8 =	simm.s32 $0x3  }
0x59: {  	v1 =	vmov s8;
	v2 =	vmul.f32 v2, v0  }
0x5a: {  	v1 =	vperm.xlane v3, v1  }
0x5b: {  	v6 =	vld [tilespmem:s7+$0xFFFFFF80];
	[tilespmem:s0+$0xFFFFFF90] =	vst v2;
	v2 =	vmul.f32 v4, v7  }
0x5c: {  	s5 =	sand.u32 $0xE, s17;
	v5 =	vmul.f32 v5, v1  }
0x5d: {  	v8 =	vmov s5;
	s5 =	simm.s32 $0x11880;
	v4 =	vld [tilespmem:s1+$0xFFFFFFA0];
	[tilespmem:s0+$0x20] =	vst v2  }
0x5e: {  	[tilespmem:s5+$0x0] =	vst v5;
	v2 =	vperm.xlane v3, v8;
	v3 =	vld [tilespmem:s1+$0x30]  }
0x5f: {  	v5 =	vld [tilespmem:s7+$0x10]  }
0x60: {  	v6 =	vmul.f32 v6, v2;
	_ =	sdelay $0x1  }
0x61: {  	s9 =	simm.s32 $0x4;
	v4 =	vmul.f32 v4, v0;
	[tilespmem:s5+$0xFFFFFF80] =	vst v6  }
0x62: {  	s18 =	sand.u32 $0xF0, s9;
	v6 =	vld [tilespmem:s7+$0xFFFFFF90];
	v3 =	vmul.f32 v3, v7  }
0x63: {  	v8 =	vld [tilespmem:s18+$0x2780];
	[tilespmem:s0+$0xFFFFFFA0] =	vst v4;
	v5 =	vmul.f32 v5, v1  }
0x64: {  	v4 =	vld [tilespmem:s1+$0xFFFFFFB0];
	[tilespmem:s0+$0x30] =	vst v3  }
0x65: {  	[tilespmem:s5+$0x10] =	vst v5;
	v5 =	vld [tilespmem:s1+$0x40]  }
0x66: {  	s8 =	simm.s32 $0x5180;
	v9 =	vld [tilespmem:s7+$0x20]  }
0x67: {  	v3 =	vmul.f32 v6, v2;
	v6 =	vld [tilespmem:s8+$0x0]  }
0x68: {  	s10 =	simm.s32 $0x5  }
0x69: {  	v10 =	vld [tilespmem:s8+$0xFFFFFF80];
	v4 =	vmul.f32 v4, v0;
	[tilespmem:s5+$0xFFFFFF90] =	vst v3;
	v3 =	vmov s10  }
0x6a: {  	s9 =	sand.u32 $0xE, s9;
	v3 =	vperm.xlane v8, v3;
	v5 =	vmul.f32 v5, v7  }
0x6b: {  	[tilespmem:s0+$0xFFFFFFB0] =	vst v4;
	v11 =	vld [tilespmem:s7+$0xFFFFFFA0];
	v4 =	vmov s9;
	v9 =	vmul.f32 v9, v1  }
0x6c: {  	v12 =	vld [tilespmem:s1+$0xFFFFFFC0];
	v4 =	vperm.xlane v8, v4;
	v6 =	vmul.f32 v6, v3;
	[tilespmem:s0+$0x40] =	vst v5  }
0x6d: {  	s9 =	simm.s32 $0x11980;
	[tilespmem:s5+$0x20] =	vst v9;
	v5 =	vld [tilespmem:s1+$0x50]  }
0x6e: {  	v8 =	vmul.f32 v10, v4;
	[tilespmem:s9+$0x0] =	vst v6;
	v6 =	vld [tilespmem:s7+$0x30]  }
0x6f: {  	v10 =	vld [tilespmem:s8+$0x10]  }
0x70: {  	s12 =	simm.s32 $0x6;
	v9 =	vmul.f32 v11, v2;
	[tilespmem:s9+$0xFFFFFF80] =	vst v8  }
0x71: {  	s22 =	sand.u32 $0xF0, s12;
	v8 =	vmul.f32 v12, v0;
	v11 =	vld [tilespmem:s8+$0xFFFFFF90]  }
0x72: {  	v12 =	vld [tilespmem:s22+$0x2780];
	[tilespmem:s5+$0xFFFFFFA0] =	vst v9;
	v5 =	vmul.f32 v5, v7  }
0x73: {  	v9 =	vld [tilespmem:s7+$0xFFFFFFB0];
	[tilespmem:s0+$0xFFFFFFC0] =	vst v8;
	v6 =	vmul.f32 v6, v1  }
0x74: {  	v8 =	vld [tilespmem:s1+$0xFFFFFFD0];
	v10 =	vmul.f32 v10, v3;
	[tilespmem:s0+$0x50] =	vst v5  }
0x75: {  	[tilespmem:s5+$0x30] =	vst v6;
	v5 =	vld [tilespmem:s1+$0x60]  }
0x76: {  	[tilespmem:s9+$0x10] =	vst v10;
	v6 =	vld [tilespmem:s7+$0x40]  }
0x77: {  	s10 =	simm.s32 $0x5280;
	v10 =	vmul.f32 v11, v4;
	v11 =	vld [tilespmem:s8+$0x20]  }
0x78: {  	v13 =	vld [tilespmem:s10+$0x0];
	v9 =	vmul.f32 v9, v2  }
0x79: {  	s11 =	simm.s32 $0x7;
	[tilespmem:s9+$0xFFFFFF90] =	vst v10;
	v8 =	vmul.f32 v8, v0;
	v10 =	vld [tilespmem:s10+$0xFFFFFF80]  }
0x7a: {  	v14 =	vmov s11;
	s31 =	sand.u32 $0xE, s12;
	[tilespmem:s5+$0xFFFFFFB0] =	vst v9;
	v9 =	vld [tilespmem:s8+$0xFFFFFFA0];
	v15 =	vmul.f32 v5, v7  }
0x7b: {  	v16 =	vmov s31;
	[tilespmem:s0+$0xFFFFFFD0] =	vst v8;
	v5 =	vperm.xlane v12, v14;
	v14 =	vld [tilespmem:s7+$0xFFFFFFC0];
	v8 =	vmul.f32 v6, v1  }
0x7c: {  	v6 =	vperm.xlane v12, v16;
	v63 =	vld [tilespmem:s1+$0xFFFFFFE0];
	v11 =	vmul.f32 v11, v3;
	[tilespmem:s0+$0x60] =	vst v15  }
0x7d: {  	v12 =	vmul.f32 v13, v5;
	[tilespmem:s5+$0x40] =	vst v8;
	v15 =	vld [tilespmem:s1+$0x70]  }
0x7e: {  	s11 =	simm.s32 $0x11A80;
	v10 =	vmul.f32 v10, v6;
	[tilespmem:s9+$0x20] =	vst v11;
	v8 =	vld [tilespmem:s7+$0x50]  }
0x7f: {  	v9 =	vmul.f32 v9, v4;
	[tilespmem:s11+$0x0] =	vst v12;
	v11 =	vld [tilespmem:s8+$0x30]  }
0x80: {  	[tilespmem:s11+$0xFFFFFF80] =	vst v10;
	v13 =	vld [tilespmem:s10+$0x10];
	v14 =	vmul.f32 v14, v2  }
0x81: {  	v12 =	vld [tilespmem:s10+$0xFFFFFF90];
	[tilespmem:s9+$0xFFFFFFA0] =	vst v9;
	v9 =	vmul.f32 v63, v0  }
0x82: {  	v10 =	vld [tilespmem:s8+$0xFFFFFFB0];
	[tilespmem:s5+$0xFFFFFFC0] =	vst v14;
	v7 =	vmul.f32 v15, v7  }
.LBB2_4:
0x83: {  	v14 =	vld [tilespmem:s7+$0xFFFFFFD0];
	v8 =	vmul.f32 v8, v1;
	[tilespmem:s0+$0xFFFFFFE0] =	vst v9;
	s13 =	smov.u32 s12;
	s12 =	sadd.s32 $0x2, s12  }
0x84: {  	s22 =	sand.u32 $0xF0, s12;
	s31 =	sand.u32 $0xE, s12;
	v9 =	vmul.f32 v11, v3;
	v11 =	vld [tilespmem:s1+$0xFFFFFFF0];
	[tilespmem:s0+$0x70] =	vst v7;
	s1 =	smov.u32 s7  }
0x85: {  	p0 =	slt.u32 s12, $0xC6;
	s7 =	smov.u32 s8;
	s8 =	smov.u32 s10;
	v7 =	vld [tilespmem:s22+$0x2780];
	v15 =	vmov s31;
	v13 =	vmul.f32 v13, v5;
	[tilespmem:s5+$0x50] =	vst v8  }
0x86: {  	v8 =	vmul.f32 v12, v6;
	[tilespmem:s9+$0x30] =	vst v9;
	v9 =	vld [tilespmem:s1+$0x60]  }
0x87: {  	[tilespmem:s11+$0x10] =	vst v13;
	v10 =	vmul.f32 v10, v4;
	v12 =	vld [tilespmem:s7+$0x40]  }
0x88: {  	s10 =	sadd.s32 $0x100, s10;
	[tilespmem:s11+$0xFFFFFF90] =	vst v8;
	v8 =	vld [tilespmem:s8+$0x20];
	v13 =	vmul.f32 v14, v2  }
0x89: {  	v14 =	vld [tilespmem:s10+$0x0];
	[tilespmem:s9+$0xFFFFFFB0] =	vst v10;
	v10 =	vmul.f32 v11, v0;
	v0 =	vmovc v2;
	v2 =	vmov v4;
	v4 =	vmov v6  }
0x8a: {  	s13 =	sadd.s32 $0x3, s13;
	v6 =	vperm.xlane v7, v15;
	v11 =	vld [tilespmem:s10+$0xFFFFFF80];
	[tilespmem:s5+$0xFFFFFFD0] =	vst v13  }
0x8b: {  	v13 =	vmov s13;
	v15 =	vld [tilespmem:s8+$0xFFFFFFA0];
	v9 =	vmul.f32 v9, v1;
	[tilespmem:s0+$0xFFFFFFF0] =	vst v10;
	s0 =	smov.u32 s5;
	s5 =	smov.u32 s9;
	s9 =	smov.u32 s11  }
0x8c: {  	v16 =	vperm.xlane v7, v13;
	v7 =	vld [tilespmem:s7+$0xFFFFFFC0];
	v10 =	vmul.f32 v12, v3  }
0x8d: {  	v8 =	vmul.f32 v8, v5;
	v17 =	vld [tilespmem:s1+$0xFFFFFFE0];
	[tilespmem:s0+$0x60] =	vst v9  }
0x8e: {  	v9 =	vmul.f32 v14, v16;
	[tilespmem:s5+$0x40] =	vst v10;
	v14 =	vld [tilespmem:s1+$0x70]  }
.Ltmp1:
0x8f: {  	s11 =	sadd.s32 $0x100, s11;
	v10 =	vmul.f32 v11, v6;
	[tilespmem:s9+$0x20] =	vst v8;
	v8 =	vld [tilespmem:s7+$0x50];
	(pc) =	sbr.rel @p0 .LBB2_4-.Ltmp1, $4  }
0x90: {  	[tilespmem:s11+$0x0] =	vst v9;
	v9 =	vmul.f32 v15, v4;
	v11 =	vld [tilespmem:s8+$0x30]  }
0x91: {  	[tilespmem:s11+$0xFFFFFF80] =	vst v10;
	v13 =	vld [tilespmem:s10+$0x10];
	v7 =	vmul.f32 v7, v2  }
0x92: {  	v12 =	vld [tilespmem:s10+$0xFFFFFF90];
	[tilespmem:s9+$0xFFFFFFA0] =	vst v9;
	v9 =	vmul.f32 v17, v0  }
0x93: {  	v10 =	vld [tilespmem:s8+$0xFFFFFFB0];
	[tilespmem:s5+$0xFFFFFFC0] =	vst v7;
	v7 =	vmul.f32 v14, v1;
	v1 =	vmovc v3;
	v3 =	vmov v5;
	v5 =	vmov v16  }
0x94: {  	_ =	sdelay $0x1  }
0x95: {  	v13 =	vmul.f32 v13, v5  }
0x96: {  	v12 =	vmul.f32 v12, v6  }
0x97: {  	[tilespmem:s11+$0x10] =	vst v13  }
0x98: {  	[tilespmem:s11+$0xFFFFFF90] =	vst v12;
	v12 =	vld [tilespmem:s10+$0x20]  }
0x99: {  	v13 =	vld [tilespmem:s10+$0xFFFFFFA0];
	_ =	sdelay $0x3  }
0x9a: {  	v12 =	vmul.f32 v12, v5  }
0x9b: {  	v13 =	vmul.f32 v13, v6  }
0x9c: {  	[tilespmem:s11+$0x20] =	vst v12  }
0x9d: {  	v12 =	vld [tilespmem:s10+$0x30];
	[tilespmem:s11+$0xFFFFFFA0] =	vst v13  }
0x9e: {  	v13 =	vld [tilespmem:s10+$0xFFFFFFB0];
	_ =	sdelay $0x1  }
0x9f: {  	v11 =	vmul.f32 v11, v3  }
0xa0: {  	v10 =	vmul.f32 v10, v4  }
0xa1: {  	[tilespmem:s9+$0x30] =	vst v11;
	v11 =	vmul.f32 v12, v5  }
0xa2: {  	[tilespmem:s9+$0xFFFFFFB0] =	vst v10;
	v12 =	vld [tilespmem:s8+$0x40];
	v10 =	vmul.f32 v13, v6  }
0xa3: {  	v13 =	vld [tilespmem:s8+$0xFFFFFFC0];
	[tilespmem:s11+$0x30] =	vst v11  }
0xa4: {  	v11 =	vld [tilespmem:s10+$0x40];
	[tilespmem:s11+$0xFFFFFFB0] =	vst v10  }
0xa5: {  	v10 =	vld [tilespmem:s10+$0xFFFFFFC0];
	_ =	sdelay $0x1  }
0xa6: {  	v12 =	vmul.f32 v12, v3  }
0xa7: {  	v13 =	vmul.f32 v13, v4  }
0xa8: {  	v14 =	vld [tilespmem:s7+$0xFFFFFFD0];
	[tilespmem:s9+$0x40] =	vst v12;
	v11 =	vmul.f32 v11, v5  }
0xa9: {  	v12 =	vld [tilespmem:s8+$0x50];
	[tilespmem:s9+$0xFFFFFFC0] =	vst v13;
	v10 =	vmul.f32 v10, v6  }
0xaa: {  	v13 =	vld [tilespmem:s8+$0xFFFFFFD0];
	[tilespmem:s11+$0x40] =	vst v11  }
0xab: {  	v11 =	vld [tilespmem:s10+$0x50];
	[tilespmem:s11+$0xFFFFFFC0] =	vst v10  }
0xac: {  	v8 =	vmul.f32 v8, v1;
	v10 =	vld [tilespmem:s10+$0xFFFFFFD0]  }
0xad: {  	v14 =	vmul.f32 v14, v2  }
0xae: {  	[tilespmem:s5+$0x50] =	vst v8;
	v8 =	vmul.f32 v12, v3  }
0xaf: {  	[tilespmem:s5+$0xFFFFFFD0] =	vst v14;
	v12 =	vld [tilespmem:s7+$0x60];
	v13 =	vmul.f32 v13, v4  }
0xb0: {  	v14 =	vld [tilespmem:s7+$0xFFFFFFE0];
	[tilespmem:s9+$0x50] =	vst v8;
	v8 =	vmul.f32 v11, v5  }
0xb1: {  	v11 =	vld [tilespmem:s8+$0x60];
	[tilespmem:s9+$0xFFFFFFD0] =	vst v13;
	v10 =	vmul.f32 v10, v6  }
0xb2: {  	v13 =	vld [tilespmem:s8+$0xFFFFFFE0];
	[tilespmem:s11+$0x50] =	vst v8  }
0xb3: {  	v8 =	vld [tilespmem:s10+$0x60];
	[tilespmem:s11+$0xFFFFFFD0] =	vst v10  }
0xb4: {  	v10 =	vmul.f32 v12, v1;
	v12 =	vld [tilespmem:s10+$0xFFFFFFE0]  }
0xb5: {  	[tilespmem:s0+$0xFFFFFFE0] =	vst v9;
	v9 =	vmul.f32 v14, v2  }
0xb6: {  	v14 =	vld [tilespmem:s1+$0xFFFFFFF0];
	[tilespmem:s5+$0x60] =	vst v10;
	v10 =	vmul.f32 v11, v3  }
0xb7: {  	[tilespmem:s5+$0xFFFFFFE0] =	vst v9;
	v11 =	vld [tilespmem:s7+$0x70];
	v9 =	vmul.f32 v13, v4  }
0xb8: {  	v13 =	vld [tilespmem:s7+$0xFFFFFFF0];
	[tilespmem:s9+$0x60] =	vst v10;
	v8 =	vmul.f32 v8, v5  }
0xb9: {  	v10 =	vld [tilespmem:s8+$0x70];
	[tilespmem:s9+$0xFFFFFFE0] =	vst v9;
	v9 =	vmul.f32 v12, v6  }
0xba: {  	v12 =	vld [tilespmem:s8+$0xFFFFFFF0];
	[tilespmem:s11+$0x60] =	vst v8  }
0xbb: {  	v0 =	vmul.f32 v14, v0;
	v8 =	vld [tilespmem:s10+$0x70];
	[tilespmem:s11+$0xFFFFFFE0] =	vst v9  }
0xbc: {  	[tilespmem:s0+$0x70] =	vst v7;
	v1 =	vmul.f32 v11, v1;
	v7 =	vld [tilespmem:s10+$0xFFFFFFF0]  }
0xbd: {  	[tilespmem:s0+$0xFFFFFFF0] =	vst v0;
	v0 =	vmul.f32 v13, v2  }
0xbe: {  	[tilespmem:s5+$0x70] =	vst v1;
	v1 =	vmul.f32 v10, v3  }
0xbf: {  	[tilespmem:s5+$0xFFFFFFF0] =	vst v0;
	v0 =	vmul.f32 v12, v4  }
0xc0: {  	[tilespmem:s9+$0x70] =	vst v1;
	v1 =	vmul.f32 v8, v5  }
0xc1: {  	[tilespmem:s9+$0xFFFFFFF0] =	vst v0;
	v0 =	vmul.f32 v7, v6  }
0xc2: {  	[tilespmem:s11+$0x70] =	vst v1  }
0xc3: {  	[tilespmem:s11+$0xFFFFFFF0] =	vst v0  }
0xc4: {  	s0 =	rddreg [dreg:$0x7]  }
0xc5: {  	[hbm4b:s0+s3] =	stream.linear.scatter [tilespmem:s24], [sflag:$0x3], $0x6400, $0x38;
	[tilespmem:$0x1DF00] =	vst v63  }
0xc6: {  	s5 =	rddreg [dreg:$0x8]  }
0xc7: {  	[tilespmem:s19], [sflag:$0x1] =	stream.linear.gather [hbm4b:s5+s3], $0x6400, $0x38;
	[tilespmem:$0x1DF00] =	vst v63  }
0xc8: {  	_ =	swait.ge [sflag:s25], $0x6400  }
0xc9: {  	s7 =	simm.s32 $0x0;
	[sflag:s25] =	ssyncset.done $0x0  }
0xca: {  	s8 =	sand.u32 $0xF0, s7;
	[sflag:s25] =	ssyncadd.s32 $0xFFFF9C00  }
0xcb: {  	v0 =	vld [tilespmem:s8+$0x2848]  }
0xcc: {  	s1 =	simm.s32 $0xB380  }
0xcd: {  	v1 =	vld [tilespmem:s1+$0x0]  }
0xce: {  	s9 =	simm.s32 $0x1  }
0xcf: {  	v2 =	vmov s9  }
0xd0: {  	v7 =	vperm.xlane v0, v2;
	_ =	sdelay $0x1  }
0xd1: {  	v1 =	vmul.f32 v1, v7  }
0xd2: {  	s0 =	simm.s32 $0x17B80;
	v2 =	vld [tilespmem:s1+$0xFFFFFF80]  }
0xd3: {  	s5 =	sand.u32 $0xE, s7;
	[tilespmem:s0+$0x0] =	vst v1  }
0xd4: {  	v1 =	vmov s5;
	v3 =	vld [tilespmem:s1+$0x10]  }
0xd5: {  	v0 =	vperm.xlane v0, v1;
	_ =	sdelay $0x1  }
0xd6: {  	v1 =	vmul.f32 v2, v0;
	_ =	sdelay $0x1  }
0xd7: {  	s10 =	simm.s32 $0x2;
	[tilespmem:s0+$0xFFFFFF80] =	vst v1;
	v1 =	vmul.f32 v3, v7  }
0xd8: {  	s11 =	sand.u32 $0xF0, s10;
	v2 =	vld [tilespmem:s1+$0xFFFFFF90]  }
0xd9: {  	v3 =	vld [tilespmem:s11+$0x2848];
	[tilespmem:s0+$0x10] =	vst v1  }
0xda: {  	s7 =	simm.s32 $0xB480;
	v4 =	vld [tilespmem:s1+$0x20]  }
0xdb: {  	v5 =	vld [tilespmem:s7+$0x0]  }
0xdc: {  	s12 =	simm.s32 $0x3  }
0xdd: {  	v1 =	vmov s12;
	v2 =	vmul.f32 v2, v0  }
0xde: {  	v1 =	vperm.xlane v3, v1  }
0xdf: {  	v6 =	vld [tilespmem:s7+$0xFFFFFF80];
	[tilespmem:s0+$0xFFFFFF90] =	vst v2;
	v2 =	vmul.f32 v4, v7  }
0xe0: {  	s5 =	sand.u32 $0xE, s10;
	v5 =	vmul.f32 v5, v1  }
0xe1: {  	v8 =	vmov s5;
	s5 =	simm.s32 $0x17C80;
	v4 =	vld [tilespmem:s1+$0xFFFFFFA0];
	[tilespmem:s0+$0x20] =	vst v2  }
0xe2: {  	[tilespmem:s5+$0x0] =	vst v5;
	v2 =	vperm.xlane v3, v8;
	v3 =	vld [tilespmem:s1+$0x30]  }
0xe3: {  	v5 =	vld [tilespmem:s7+$0x10]  }
0xe4: {  	v6 =	vmul.f32 v6, v2;
	_ =	sdelay $0x1  }
0xe5: {  	s13 =	simm.s32 $0x4;
	v4 =	vmul.f32 v4, v0;
	[tilespmem:s5+$0xFFFFFF80] =	vst v6  }
0xe6: {  	s16 =	sand.u32 $0xF0, s13;
	v6 =	vld [tilespmem:s7+$0xFFFFFF90];
	v3 =	vmul.f32 v3, v7  }
0xe7: {  	v8 =	vld [tilespmem:s16+$0x2848];
	[tilespmem:s0+$0xFFFFFFA0] =	vst v4;
	v5 =	vmul.f32 v5, v1  }
0xe8: {  	v4 =	vld [tilespmem:s1+$0xFFFFFFB0];
	[tilespmem:s0+$0x30] =	vst v3  }
0xe9: {  	[tilespmem:s5+$0x10] =	vst v5;
	v5 =	vld [tilespmem:s1+$0x40]  }
0xea: {  	s8 =	simm.s32 $0xB580;
	v9 =	vld [tilespmem:s7+$0x20]  }
0xeb: {  	v3 =	vmul.f32 v6, v2;
	v6 =	vld [tilespmem:s8+$0x0]  }
0xec: {  	s17 =	simm.s32 $0x5  }
0xed: {  	v10 =	vld [tilespmem:s8+$0xFFFFFF80];
	v4 =	vmul.f32 v4, v0;
	[tilespmem:s5+$0xFFFFFF90] =	vst v3;
	v3 =	vmov s17  }
0xee: {  	s9 =	sand.u32 $0xE, s13;
	v3 =	vperm.xlane v8, v3;
	v5 =	vmul.f32 v5, v7  }
0xef: {  	[tilespmem:s0+$0xFFFFFFB0] =	vst v4;
	v11 =	vld [tilespmem:s7+$0xFFFFFFA0];
	v4 =	vmov s9;
	v9 =	vmul.f32 v9, v1  }
0xf0: {  	v12 =	vld [tilespmem:s1+$0xFFFFFFC0];
	v4 =	vperm.xlane v8, v4;
	v6 =	vmul.f32 v6, v3;
	[tilespmem:s0+$0x40] =	vst v5  }
0xf1: {  	s9 =	simm.s32 $0x17D80;
	[tilespmem:s5+$0x20] =	vst v9;
	v5 =	vld [tilespmem:s1+$0x50]  }
0xf2: {  	v8 =	vmul.f32 v10, v4;
	[tilespmem:s9+$0x0] =	vst v6;
	v6 =	vld [tilespmem:s7+$0x30]  }
0xf3: {  	v10 =	vld [tilespmem:s8+$0x10]  }
0xf4: {  	s12 =	simm.s32 $0x6;
	v9 =	vmul.f32 v11, v2;
	[tilespmem:s9+$0xFFFFFF80] =	vst v8  }
0xf5: {  	s18 =	sand.u32 $0xF0, s12;
	v8 =	vmul.f32 v12, v0;
	v11 =	vld [tilespmem:s8+$0xFFFFFF90]  }
0xf6: {  	v12 =	vld [tilespmem:s18+$0x2848];
	[tilespmem:s5+$0xFFFFFFA0] =	vst v9;
	v5 =	vmul.f32 v5, v7  }
0xf7: {  	v9 =	vld [tilespmem:s7+$0xFFFFFFB0];
	[tilespmem:s0+$0xFFFFFFC0] =	vst v8;
	v6 =	vmul.f32 v6, v1  }
0xf8: {  	v8 =	vld [tilespmem:s1+$0xFFFFFFD0];
	v10 =	vmul.f32 v10, v3;
	[tilespmem:s0+$0x50] =	vst v5  }
0xf9: {  	[tilespmem:s5+$0x30] =	vst v6;
	v5 =	vld [tilespmem:s1+$0x60]  }
0xfa: {  	[tilespmem:s9+$0x10] =	vst v10;
	v6 =	vld [tilespmem:s7+$0x40]  }
0xfb: {  	s10 =	simm.s32 $0xB680;
	v10 =	vmul.f32 v11, v4;
	v11 =	vld [tilespmem:s8+$0x20]  }
0xfc: {  	v13 =	vld [tilespmem:s10+$0x0];
	v9 =	vmul.f32 v9, v2  }
0xfd: {  	s22 =	simm.s32 $0x7;
	[tilespmem:s9+$0xFFFFFF90] =	vst v10;
	v8 =	vmul.f32 v8, v0;
	v10 =	vld [tilespmem:s10+$0xFFFFFF80]  }
0xfe: {  	v14 =	vmov s22;
	s31 =	sand.u32 $0xE, s12;
	[tilespmem:s5+$0xFFFFFFB0] =	vst v9;
	v9 =	vld [tilespmem:s8+$0xFFFFFFA0];
	v15 =	vmul.f32 v5, v7  }
0xff: {  	v16 =	vmov s31;
	[tilespmem:s0+$0xFFFFFFD0] =	vst v8;
	v5 =	vperm.xlane v12, v14;
	v14 =	vld [tilespmem:s7+$0xFFFFFFC0];
	v8 =	vmul.f32 v6, v1  }
0x100: {  	v6 =	vperm.xlane v12, v16;
	v63 =	vld [tilespmem:s1+$0xFFFFFFE0];
	v11 =	vmul.f32 v11, v3;
	[tilespmem:s0+$0x60] =	vst v15  }
0x101: {  	v12 =	vmul.f32 v13, v5;
	[tilespmem:s5+$0x40] =	vst v8;
	v15 =	vld [tilespmem:s1+$0x70]  }
0x102: {  	s11 =	simm.s32 $0x17E80;
	v10 =	vmul.f32 v10, v6;
	[tilespmem:s9+$0x20] =	vst v11;
	v8 =	vld [tilespmem:s7+$0x50]  }
0x103: {  	v9 =	vmul.f32 v9, v4;
	[tilespmem:s11+$0x0] =	vst v12;
	v11 =	vld [tilespmem:s8+$0x30]  }
0x104: {  	[tilespmem:s11+$0xFFFFFF80] =	vst v10;
	v13 =	vld [tilespmem:s10+$0x10];
	v14 =	vmul.f32 v14, v2  }
0x105: {  	v12 =	vld [tilespmem:s10+$0xFFFFFF90];
	[tilespmem:s9+$0xFFFFFFA0] =	vst v9;
	v9 =	vmul.f32 v63, v0  }
0x106: {  	v10 =	vld [tilespmem:s8+$0xFFFFFFB0];
	[tilespmem:s5+$0xFFFFFFC0] =	vst v14;
	v7 =	vmul.f32 v15, v7  }
.LBB2_6:
0x107: {  	v14 =	vld [tilespmem:s7+$0xFFFFFFD0];
	v8 =	vmul.f32 v8, v1;
	[tilespmem:s0+$0xFFFFFFE0] =	vst v9;
	s13 =	smov.u32 s12;
	s12 =	sadd.s32 $0x2, s12  }
0x108: {  	s22 =	sand.u32 $0xF0, s12;
	s31 =	sand.u32 $0xE, s12;
	v9 =	vmul.f32 v11, v3;
	v11 =	vld [tilespmem:s1+$0xFFFFFFF0];
	[tilespmem:s0+$0x70] =	vst v7;
	s1 =	smov.u32 s7  }
0x109: {  	p0 =	slt.u32 s12, $0xC6;
	s7 =	smov.u32 s8;
	s8 =	smov.u32 s10;
	v7 =	vld [tilespmem:s22+$0x2848];
	v15 =	vmov s31;
	v13 =	vmul.f32 v13, v5;
	[tilespmem:s5+$0x50] =	vst v8  }
0x10a: {  	v8 =	vmul.f32 v12, v6;
	[tilespmem:s9+$0x30] =	vst v9;
	v9 =	vld [tilespmem:s1+$0x60]  }
0x10b: {  	[tilespmem:s11+$0x10] =	vst v13;
	v10 =	vmul.f32 v10, v4;
	v12 =	vld [tilespmem:s7+$0x40]  }
0x10c: {  	s10 =	sadd.s32 $0x100, s10;
	[tilespmem:s11+$0xFFFFFF90] =	vst v8;
	v8 =	vld [tilespmem:s8+$0x20];
	v13 =	vmul.f32 v14, v2  }
0x10d: {  	v14 =	vld [tilespmem:s10+$0x0];
	[tilespmem:s9+$0xFFFFFFB0] =	vst v10;
	v10 =	vmul.f32 v11, v0;
	v0 =	vmovc v2;
	v2 =	vmov v4;
	v4 =	vmov v6  }
0x10e: {  	s13 =	sadd.s32 $0x3, s13;
	v6 =	vperm.xlane v7, v15;
	v11 =	vld [tilespmem:s10+$0xFFFFFF80];
	[tilespmem:s5+$0xFFFFFFD0] =	vst v13  }
0x10f: {  	v13 =	vmov s13;
	v15 =	vld [tilespmem:s8+$0xFFFFFFA0];
	v9 =	vmul.f32 v9, v1;
	[tilespmem:s0+$0xFFFFFFF0] =	vst v10;
	s0 =	smov.u32 s5;
	s5 =	smov.u32 s9;
	s9 =	smov.u32 s11  }
0x110: {  	v16 =	vperm.xlane v7, v13;
	v7 =	vld [tilespmem:s7+$0xFFFFFFC0];
	v10 =	vmul.f32 v12, v3  }
0x111: {  	v8 =	vmul.f32 v8, v5;
	v17 =	vld [tilespmem:s1+$0xFFFFFFE0];
	[tilespmem:s0+$0x60] =	vst v9  }
0x112: {  	v9 =	vmul.f32 v14, v16;
	[tilespmem:s5+$0x40] =	vst v10;
	v14 =	vld [tilespmem:s1+$0x70]  }
.Ltmp2:
0x113: {  	s11 =	sadd.s32 $0x100, s11;
	v10 =	vmul.f32 v11, v6;
	[tilespmem:s9+$0x20] =	vst v8;
	v8 =	vld [tilespmem:s7+$0x50];
	(pc) =	sbr.rel @p0 .LBB2_6-.Ltmp2, $4  }
0x114: {  	[tilespmem:s11+$0x0] =	vst v9;
	v9 =	vmul.f32 v15, v4;
	v11 =	vld [tilespmem:s8+$0x30]  }
0x115: {  	[tilespmem:s11+$0xFFFFFF80] =	vst v10;
	v13 =	vld [tilespmem:s10+$0x10];
	v7 =	vmul.f32 v7, v2  }
0x116: {  	v12 =	vld [tilespmem:s10+$0xFFFFFF90];
	[tilespmem:s9+$0xFFFFFFA0] =	vst v9;
	v9 =	vmul.f32 v17, v0  }
0x117: {  	v10 =	vld [tilespmem:s8+$0xFFFFFFB0];
	[tilespmem:s5+$0xFFFFFFC0] =	vst v7;
	v7 =	vmul.f32 v14, v1;
	v1 =	vmovc v3;
	v3 =	vmov v5;
	v5 =	vmov v16  }
0x118: {  	_ =	sdelay $0x1  }
0x119: {  	v13 =	vmul.f32 v13, v5  }
0x11a: {  	v12 =	vmul.f32 v12, v6  }
0x11b: {  	[tilespmem:s11+$0x10] =	vst v13  }
0x11c: {  	[tilespmem:s11+$0xFFFFFF90] =	vst v12;
	v37 =	vld [tilespmem:s10+$0x20]  }
0x11d: {  	v38 =	vld [tilespmem:s10+$0xFFFFFFA0];
	_ =	sdelay $0x3  }
0x11e: {  	v12 =	vmul.f32 v37, v5  }
0x11f: {  	v13 =	vmul.f32 v38, v6  }
0x120: {  	[tilespmem:s11+$0x20] =	vst v12  }
0x121: {  	v12 =	vld [tilespmem:s10+$0x30];
	[tilespmem:s11+$0xFFFFFFA0] =	vst v13  }
0x122: {  	v13 =	vld [tilespmem:s10+$0xFFFFFFB0];
	_ =	sdelay $0x1  }
0x123: {  	v11 =	vmul.f32 v11, v3  }
0x124: {  	v10 =	vmul.f32 v10, v4  }
0x125: {  	[tilespmem:s9+$0x30] =	vst v11;
	v39 =	vmul.f32 v12, v5  }
0x126: {  	v40 =	vld [tilespmem:s8+$0x40];
	[tilespmem:s9+$0xFFFFFFB0] =	vst v10;
	v41 =	vmul.f32 v13, v6  }
0x127: {  	v42 =	vld [tilespmem:s8+$0xFFFFFFC0];
	[tilespmem:s11+$0x30] =	vst v39  }
0x128: {  	v11 =	vld [tilespmem:s10+$0x40];
	[tilespmem:s11+$0xFFFFFFB0] =	vst v41  }
0x129: {  	v10 =	vld [tilespmem:s10+$0xFFFFFFC0];
	_ =	sdelay $0x1  }
0x12a: {  	v12 =	vmul.f32 v40, v3  }
0x12b: {  	v13 =	vmul.f32 v42, v4  }
0x12c: {  	v14 =	vld [tilespmem:s7+$0xFFFFFFD0];
	[tilespmem:s9+$0x40] =	vst v12;
	v11 =	vmul.f32 v11, v5  }
0x12d: {  	v12 =	vld [tilespmem:s8+$0x50];
	[tilespmem:s9+$0xFFFFFFC0] =	vst v13;
	v10 =	vmul.f32 v10, v6  }
0x12e: {  	v13 =	vld [tilespmem:s8+$0xFFFFFFD0];
	[tilespmem:s11+$0x40] =	vst v11  }
0x12f: {  	v11 =	vld [tilespmem:s10+$0x50];
	[tilespmem:s11+$0xFFFFFFC0] =	vst v10  }
0x130: {  	v8 =	vmul.f32 v8, v1;
	v10 =	vld [tilespmem:s10+$0xFFFFFFD0]  }
0x131: {  	v14 =	vmul.f32 v14, v2  }
0x132: {  	[tilespmem:s5+$0x50] =	vst v8;
	v43 =	vmul.f32 v12, v3  }
0x133: {  	v44 =	vld [tilespmem:s7+$0x60];
	[tilespmem:s5+$0xFFFFFFD0] =	vst v14;
	v13 =	vmul.f32 v13, v4  }
0x134: {  	v14 =	vld [tilespmem:s7+$0xFFFFFFE0];
	[tilespmem:s9+$0x50] =	vst v43;
	v45 =	vmul.f32 v11, v5  }
0x135: {  	v46 =	vld [tilespmem:s8+$0x60];
	[tilespmem:s9+$0xFFFFFFD0] =	vst v13;
	v10 =	vmul.f32 v10, v6  }
0x136: {  	v13 =	vld [tilespmem:s8+$0xFFFFFFE0];
	[tilespmem:s11+$0x50] =	vst v45  }
0x137: {  	v8 =	vld [tilespmem:s10+$0x60];
	[tilespmem:s11+$0xFFFFFFD0] =	vst v10  }
0x138: {  	v47 =	vmul.f32 v44, v1;
	v48 =	vld [tilespmem:s10+$0xFFFFFFE0]  }
0x139: {  	[tilespmem:s0+$0xFFFFFFE0] =	vst v9;
	v49 =	vmul.f32 v14, v2  }
0x13a: {  	v50 =	vld [tilespmem:s1+$0xFFFFFFF0];
	[tilespmem:s5+$0x60] =	vst v47;
	v51 =	vmul.f32 v46, v3  }
0x13b: {  	v52 =	vld [tilespmem:s7+$0x70];
	[tilespmem:s5+$0xFFFFFFE0] =	vst v49;
	v53 =	vmul.f32 v13, v4  }
0x13c: {  	v54 =	vld [tilespmem:s7+$0xFFFFFFF0];
	[tilespmem:s9+$0x60] =	vst v51;
	v8 =	vmul.f32 v8, v5  }
0x13d: {  	v10 =	vld [tilespmem:s8+$0x70];
	[tilespmem:s9+$0xFFFFFFE0] =	vst v53;
	v55 =	vmul.f32 v48, v6  }
0x13e: {  	v56 =	vld [tilespmem:s8+$0xFFFFFFF0];
	[tilespmem:s11+$0x60] =	vst v8  }
0x13f: {  	v0 =	vmul.f32 v50, v0;
	v8 =	vld [tilespmem:s10+$0x70];
	[tilespmem:s11+$0xFFFFFFE0] =	vst v55  }
0x140: {  	[tilespmem:s0+$0x70] =	vst v7;
	v57 =	vmul.f32 v52, v1;
	v58 =	vld [tilespmem:s10+$0xFFFFFFF0]  }
0x141: {  	[tilespmem:s0+$0xFFFFFFF0] =	vst v0;
	v59 =	vmul.f32 v54, v2  }
0x142: {  	[tilespmem:s5+$0x70] =	vst v57;
	v60 =	vmul.f32 v10, v3  }
0x143: {  	[tilespmem:s5+$0xFFFFFFF0] =	vst v59;
	v61 =	vmul.f32 v56, v4  }
0x144: {  	[tilespmem:s9+$0x70] =	vst v60;
	v62 =	vmul.f32 v8, v5  }
0x145: {  	[tilespmem:s9+$0xFFFFFFF0] =	vst v61;
	v63 =	vmul.f32 v58, v6  }
0x146: {  	[tilespmem:s11+$0x70] =	vst v62  }
0x147: {  	[tilespmem:s11+$0xFFFFFFF0] =	vst v63  }
0x148: {  	s0 =	rddreg [dreg:$0x9]  }
0x149: {  	[hbm4b:s0+s3] =	stream.linear.scatter [tilespmem:s26], [sflag:$0x4], $0x6400, $0x38;
	[tilespmem:$0x1DF00] =	vst v63  }
0x14a: {  	s31 =	simm.s32 $0x1;
	s22 =	rddreg [dreg:$0xa]  }
0x14b: {  	[tilespmem:s20], [sflag:$0x2] =	stream.linear.gather [hbm4b:s22+s3], $0x6400, $0x38;
	[tilespmem:$0x1DF00] =	vst v63  }
.LBB2_8:
0x14c: {  	s1 =	smul.u32 $0x190, s31;
	_ =	sdelay $0x1  }
0x14d: {  	_ =	swait.ge [sflag:s23], $0x6400;
	s0 =	sadd.s32 $0x2780, s1  }
0x14e: {  	[sflag:s23] =	ssyncset.done $0x0;
	v5 =	vmov s0  }
0x14f: {  	[sflag:s23] =	ssyncadd.s32 $0xFFFF9C00  }
0x150: {  	_ =	swait.ge [sflag:s28], $0x6400  }
0x151: {  	s5 =	simm.s32 $0x0;
	[sflag:s28] =	ssyncset.done $0x0  }
0x152: {  	s11 =	sand.u32 $0xF0, s5;
	[sflag:s28] =	ssyncadd.s32 $0xFFFF9C00  }
0x153: {  	v0 =	vld.idx.msk [tilespmem:v5+s11+$0x0 ss:$0x1], $0xffff  }
0x154: {  	s22 =	simm.s32 $0x4F80  }
0x155: {  	v1 =	vld [tilespmem:s22+$0x0]  }
0x156: {  	s12 =	simm.s32 $0x1  }
0x157: {  	v2 =	vmov s12  }
0x158: {  	v8 =	vperm.xlane v0, v2;
	_ =	sdelay $0x1  }
0x159: {  	v1 =	vmul.f32 v1, v8  }
0x15a: {  	s0 =	simm.s32 $0x11780;
	v2 =	vld [tilespmem:s22+$0xFFFFFF80]  }
0x15b: {  	s5 =	sand.u32 $0xE, s5;
	[tilespmem:s0+$0x0] =	vst v1  }
0x15c: {  	v1 =	vmov s5;
	v3 =	vld [tilespmem:s22+$0x10]  }
0x15d: {  	v0 =	vperm.xlane v0, v1;
	_ =	sdelay $0x1  }
0x15e: {  	v1 =	vmul.f32 v2, v0;
	_ =	sdelay $0x1  }
0x15f: {  	s13 =	simm.s32 $0x2;
	[tilespmem:s0+$0xFFFFFF80] =	vst v1;
	v1 =	vmul.f32 v3, v8  }
0x160: {  	s7 =	sand.u32 $0xF0, s13;
	v2 =	vld [tilespmem:s22+$0xFFFFFF90]  }
0x161: {  	v3 =	vld.idx.msk [tilespmem:v5+s7+$0x0 ss:$0x1], $0xffff;
	[tilespmem:s0+$0x10] =	vst v1  }
0x162: {  	s7 =	simm.s32 $0x5080;
	v4 =	vld [tilespmem:s22+$0x20]  }
0x163: {  	v6 =	vld [tilespmem:s7+$0x0]  }
0x164: {  	s8 =	simm.s32 $0x3  }
0x165: {  	v1 =	vmov s8;
	v2 =	vmul.f32 v2, v0  }
0x166: {  	v1 =	vperm.xlane v3, v1  }
0x167: {  	v7 =	vld [tilespmem:s7+$0xFFFFFF80];
	[tilespmem:s0+$0xFFFFFF90] =	vst v2;
	v2 =	vmul.f32 v4, v8  }
0x168: {  	s5 =	sand.u32 $0xE, s13;
	v6 =	vmul.f32 v6, v1  }
0x169: {  	v9 =	vmov s5;
	s5 =	simm.s32 $0x11880;
	v4 =	vld [tilespmem:s22+$0xFFFFFFA0];
	[tilespmem:s0+$0x20] =	vst v2  }
0x16a: {  	[tilespmem:s5+$0x0] =	vst v6;
	v2 =	vperm.xlane v3, v9;
	v3 =	vld [tilespmem:s22+$0x30]  }
0x16b: {  	v6 =	vld [tilespmem:s7+$0x10]  }
0x16c: {  	v7 =	vmul.f32 v7, v2;
	_ =	sdelay $0x1  }
0x16d: {  	s9 =	simm.s32 $0x4;
	v4 =	vmul.f32 v4, v0;
	[tilespmem:s5+$0xFFFFFF80] =	vst v7  }
0x16e: {  	s16 =	sand.u32 $0xF0, s9;
	v7 =	vld [tilespmem:s7+$0xFFFFFF90];
	v3 =	vmul.f32 v3, v8  }
0x16f: {  	v9 =	vld.idx.msk [tilespmem:v5+s16+$0x0 ss:$0x1], $0xffff;
	[tilespmem:s0+$0xFFFFFFA0] =	vst v4;
	v6 =	vmul.f32 v6, v1  }
0x170: {  	v4 =	vld [tilespmem:s22+$0xFFFFFFB0];
	[tilespmem:s0+$0x30] =	vst v3  }
0x171: {  	[tilespmem:s5+$0x10] =	vst v6;
	v6 =	vld [tilespmem:s22+$0x40]  }
0x172: {  	s8 =	simm.s32 $0x5180;
	v10 =	vld [tilespmem:s7+$0x20]  }
0x173: {  	v3 =	vmul.f32 v7, v2;
	v7 =	vld [tilespmem:s8+$0x0]  }
0x174: {  	s10 =	simm.s32 $0x5  }
0x175: {  	v11 =	vld [tilespmem:s8+$0xFFFFFF80];
	v4 =	vmul.f32 v4, v0;
	[tilespmem:s5+$0xFFFFFF90] =	vst v3;
	v3 =	vmov s10  }
0x176: {  	s9 =	sand.u32 $0xE, s9;
	v3 =	vperm.xlane v9, v3;
	v6 =	vmul.f32 v6, v8  }
0x177: {  	[tilespmem:s0+$0xFFFFFFB0] =	vst v4;
	v12 =	vld [tilespmem:s7+$0xFFFFFFA0];
	v4 =	vmov s9;
	v10 =	vmul.f32 v10, v1  }
0x178: {  	v13 =	vld [tilespmem:s22+$0xFFFFFFC0];
	v4 =	vperm.xlane v9, v4;
	v7 =	vmul.f32 v7, v3;
	[tilespmem:s0+$0x40] =	vst v6  }
0x179: {  	s9 =	simm.s32 $0x11980;
	[tilespmem:s5+$0x20] =	vst v10;
	v6 =	vld [tilespmem:s22+$0x50]  }
0x17a: {  	v9 =	vmul.f32 v11, v4;
	[tilespmem:s9+$0x0] =	vst v7;
	v7 =	vld [tilespmem:s7+$0x30]  }
0x17b: {  	v11 =	vld [tilespmem:s8+$0x10]  }
0x17c: {  	s12 =	simm.s32 $0x6;
	v10 =	vmul.f32 v12, v2;
	[tilespmem:s9+$0xFFFFFF80] =	vst v9  }
0x17d: {  	s17 =	sand.u32 $0xF0, s12;
	v9 =	vmul.f32 v13, v0;
	v12 =	vld [tilespmem:s8+$0xFFFFFF90]  }
0x17e: {  	v13 =	vld.idx.msk [tilespmem:v5+s17+$0x0 ss:$0x1], $0xffff;
	[tilespmem:s5+$0xFFFFFFA0] =	vst v10;
	v6 =	vmul.f32 v6, v8  }
0x17f: {  	v10 =	vld [tilespmem:s7+$0xFFFFFFB0];
	[tilespmem:s0+$0xFFFFFFC0] =	vst v9;
	v7 =	vmul.f32 v7, v1  }
0x180: {  	v9 =	vld [tilespmem:s22+$0xFFFFFFD0];
	v11 =	vmul.f32 v11, v3;
	[tilespmem:s0+$0x50] =	vst v6  }
0x181: {  	[tilespmem:s5+$0x30] =	vst v7;
	v6 =	vld [tilespmem:s22+$0x60]  }
0x182: {  	[tilespmem:s9+$0x10] =	vst v11;
	v7 =	vld [tilespmem:s7+$0x40]  }
0x183: {  	s10 =	simm.s32 $0x5280;
	v11 =	vmul.f32 v12, v4;
	v12 =	vld [tilespmem:s8+$0x20]  }
0x184: {  	v14 =	vld [tilespmem:s10+$0x0];
	v10 =	vmul.f32 v10, v2  }
0x185: {  	s11 =	simm.s32 $0x7;
	[tilespmem:s9+$0xFFFFFF90] =	vst v11;
	v9 =	vmul.f32 v9, v0;
	v11 =	vld [tilespmem:s10+$0xFFFFFF80]  }
0x186: {  	s18 =	sand.u32 $0xE, s12;
	v15 =	vmov s11;
	[tilespmem:s5+$0xFFFFFFB0] =	vst v10;
	v10 =	vld [tilespmem:s8+$0xFFFFFFA0];
	v16 =	vmul.f32 v6, v8  }
0x187: {  	v17 =	vmov s18;
	[tilespmem:s0+$0xFFFFFFD0] =	vst v9;
	v6 =	vperm.xlane v13, v15;
	v15 =	vld [tilespmem:s7+$0xFFFFFFC0];
	v9 =	vmul.f32 v7, v1  }
0x188: {  	v7 =	vperm.xlane v13, v17;
	v63 =	vld [tilespmem:s22+$0xFFFFFFE0];
	v12 =	vmul.f32 v12, v3;
	[tilespmem:s0+$0x60] =	vst v16  }
0x189: {  	v13 =	vmul.f32 v14, v6;
	[tilespmem:s5+$0x40] =	vst v9;
	v16 =	vld [tilespmem:s22+$0x70]  }
0x18a: {  	s11 =	simm.s32 $0x11A80;
	v11 =	vmul.f32 v11, v7;
	[tilespmem:s9+$0x20] =	vst v12;
	v9 =	vld [tilespmem:s7+$0x50]  }
0x18b: {  	v10 =	vmul.f32 v10, v4;
	[tilespmem:s11+$0x0] =	vst v13;
	v12 =	vld [tilespmem:s8+$0x30]  }
0x18c: {  	[tilespmem:s11+$0xFFFFFF80] =	vst v11;
	v14 =	vld [tilespmem:s10+$0x10];
	v15 =	vmul.f32 v15, v2  }
0x18d: {  	v13 =	vld [tilespmem:s10+$0xFFFFFF90];
	[tilespmem:s9+$0xFFFFFFA0] =	vst v10;
	v10 =	vmul.f32 v63, v0  }
0x18e: {  	v11 =	vld [tilespmem:s8+$0xFFFFFFB0];
	[tilespmem:s5+$0xFFFFFFC0] =	vst v15;
	v8 =	vmul.f32 v16, v8  }
.LBB2_9:
0x18f: {  	v15 =	vld [tilespmem:s7+$0xFFFFFFD0];
	v9 =	vmul.f32 v9, v1;
	[tilespmem:s0+$0xFFFFFFE0] =	vst v10;
	s13 =	smov.u32 s12;
	s12 =	sadd.s32 $0x2, s12  }
0x190: {  	s16 =	sand.u32 $0xF0, s12;
	s17 =	sand.u32 $0xE, s12;
	p0 =	slt.u32 s12, $0xC6;
	v10 =	vmul.f32 v12, v3;
	v12 =	vld [tilespmem:s22+$0xFFFFFFF0];
	[tilespmem:s0+$0x70] =	vst v8  }
0x191: {  	s22 =	smov.u32 s7;
	s7 =	smov.u32 s8;
	s8 =	smov.u32 s10;
	v8 =	vld.idx.msk [tilespmem:v5+s16+$0x0 ss:$0x1], $0xffff;
	v16 =	vmov s17;
	v14 =	vmul.f32 v14, v6;
	[tilespmem:s5+$0x50] =	vst v9  }
0x192: {  	v9 =	vmul.f32 v13, v7;
	[tilespmem:s9+$0x30] =	vst v10;
	v10 =	vld [tilespmem:s22+$0x60]  }
0x193: {  	[tilespmem:s11+$0x10] =	vst v14;
	v11 =	vmul.f32 v11, v4;
	v13 =	vld [tilespmem:s7+$0x40]  }
0x194: {  	s10 =	sadd.s32 $0x100, s10;
	[tilespmem:s11+$0xFFFFFF90] =	vst v9;
	v9 =	vld [tilespmem:s8+$0x20];
	v14 =	vmul.f32 v15, v2  }
0x195: {  	v15 =	vld [tilespmem:s10+$0x0];
	[tilespmem:s9+$0xFFFFFFB0] =	vst v11;
	v11 =	vmul.f32 v12, v0;
	v0 =	vmovc v2;
	v2 =	vmov v4;
	v4 =	vmov v7  }
0x196: {  	s13 =	sadd.s32 $0x3, s13;
	v12 =	vld [tilespmem:s10+$0xFFFFFF80];
	[tilespmem:s5+$0xFFFFFFD0] =	vst v14  }
0x197: {  	v7 =	vperm.xlane v8, v16;
	v14 =	vmov s13;
	v16 =	vld [tilespmem:s8+$0xFFFFFFA0];
	v10 =	vmul.f32 v10, v1;
	[tilespmem:s0+$0xFFFFFFF0] =	vst v11;
	s0 =	smov.u32 s5;
	s5 =	smov.u32 s9;
	s9 =	smov.u32 s11  }
0x198: {  	v17 =	vperm.xlane v8, v14;
	v8 =	vld [tilespmem:s7+$0xFFFFFFC0];
	v11 =	vmul.f32 v13, v3  }
0x199: {  	v9 =	vmul.f32 v9, v6;
	v18 =	vld [tilespmem:s22+$0xFFFFFFE0];
	[tilespmem:s0+$0x60] =	vst v10  }
0x19a: {  	v10 =	vmul.f32 v15, v17;
	[tilespmem:s5+$0x40] =	vst v11;
	v15 =	vld [tilespmem:s22+$0x70]  }
.Ltmp3:
0x19b: {  	s11 =	sadd.s32 $0x100, s11;
	v11 =	vmul.f32 v12, v7;
	[tilespmem:s9+$0x20] =	vst v9;
	v9 =	vld [tilespmem:s7+$0x50];
	(pc) =	sbr.rel @p0 .LBB2_9-.Ltmp3, $4  }
0x19c: {  	[tilespmem:s11+$0x0] =	vst v10;
	v10 =	vmul.f32 v16, v4;
	v12 =	vld [tilespmem:s8+$0x30]  }
0x19d: {  	[tilespmem:s11+$0xFFFFFF80] =	vst v11;
	v14 =	vld [tilespmem:s10+$0x10];
	v8 =	vmul.f32 v8, v2  }
0x19e: {  	v13 =	vld [tilespmem:s10+$0xFFFFFF90];
	[tilespmem:s9+$0xFFFFFFA0] =	vst v10;
	v10 =	vmul.f32 v18, v0  }
0x19f: {  	v11 =	vld [tilespmem:s8+$0xFFFFFFB0];
	[tilespmem:s5+$0xFFFFFFC0] =	vst v8;
	v8 =	vmul.f32 v15, v1;
	v1 =	vmovc v3;
	v3 =	vmov v6;
	v6 =	vmov v17  }
0x1a0: {  	_ =	sdelay $0x1  }
0x1a1: {  	v5 =	vmul.f32 v14, v6  }
0x1a2: {  	v13 =	vmul.f32 v13, v7  }
0x1a3: {  	[tilespmem:s11+$0x10] =	vst v5  }
0x1a4: {  	[tilespmem:s11+$0xFFFFFF90] =	vst v13;
	v5 =	vld [tilespmem:s10+$0x20]  }
0x1a5: {  	v13 =	vld [tilespmem:s10+$0xFFFFFFA0];
	_ =	sdelay $0x3  }
0x1a6: {  	v5 =	vmul.f32 v5, v6  }
0x1a7: {  	v13 =	vmul.f32 v13, v7  }
0x1a8: {  	[tilespmem:s11+$0x20] =	vst v5  }
0x1a9: {  	v5 =	vld [tilespmem:s10+$0x30];
	[tilespmem:s11+$0xFFFFFFA0] =	vst v13  }
0x1aa: {  	v13 =	vld [tilespmem:s10+$0xFFFFFFB0];
	_ =	sdelay $0x1  }
0x1ab: {  	v12 =	vmul.f32 v12, v3  }
0x1ac: {  	v11 =	vmul.f32 v11, v4  }
0x1ad: {  	[tilespmem:s9+$0x30] =	vst v12;
	v5 =	vmul.f32 v5, v6  }
0x1ae: {  	v12 =	vld [tilespmem:s8+$0x40];
	[tilespmem:s9+$0xFFFFFFB0] =	vst v11;
	v11 =	vmul.f32 v13, v7  }
0x1af: {  	v13 =	vld [tilespmem:s8+$0xFFFFFFC0];
	[tilespmem:s11+$0x30] =	vst v5  }
0x1b0: {  	v5 =	vld [tilespmem:s10+$0x40];
	[tilespmem:s11+$0xFFFFFFB0] =	vst v11  }
0x1b1: {  	v11 =	vld [tilespmem:s10+$0xFFFFFFC0];
	_ =	sdelay $0x1  }
0x1b2: {  	v12 =	vmul.f32 v12, v3  }
0x1b3: {  	v13 =	vmul.f32 v13, v4  }
0x1b4: {  	v14 =	vld [tilespmem:s7+$0xFFFFFFD0];
	[tilespmem:s9+$0x40] =	vst v12;
	v5 =	vmul.f32 v5, v6  }
0x1b5: {  	v12 =	vld [tilespmem:s8+$0x50];
	[tilespmem:s9+$0xFFFFFFC0] =	vst v13;
	v11 =	vmul.f32 v11, v7  }
0x1b6: {  	v13 =	vld [tilespmem:s8+$0xFFFFFFD0];
	[tilespmem:s11+$0x40] =	vst v5  }
0x1b7: {  	v5 =	vld [tilespmem:s10+$0x50];
	[tilespmem:s11+$0xFFFFFFC0] =	vst v11  }
0x1b8: {  	v9 =	vmul.f32 v9, v1;
	v11 =	vld [tilespmem:s10+$0xFFFFFFD0]  }
0x1b9: {  	v14 =	vmul.f32 v14, v2  }
0x1ba: {  	[tilespmem:s5+$0x50] =	vst v9;
	v9 =	vmul.f32 v12, v3  }
0x1bb: {  	[tilespmem:s5+$0xFFFFFFD0] =	vst v14;
	v12 =	vld [tilespmem:s7+$0x60];
	v13 =	vmul.f32 v13, v4  }
0x1bc: {  	v14 =	vld [tilespmem:s7+$0xFFFFFFE0];
	[tilespmem:s9+$0x50] =	vst v9;
	v5 =	vmul.f32 v5, v6  }
0x1bd: {  	v9 =	vld [tilespmem:s8+$0x60];
	[tilespmem:s9+$0xFFFFFFD0] =	vst v13;
	v11 =	vmul.f32 v11, v7  }
0x1be: {  	v13 =	vld [tilespmem:s8+$0xFFFFFFE0];
	[tilespmem:s11+$0x50] =	vst v5  }
0x1bf: {  	v5 =	vld [tilespmem:s10+$0x60];
	[tilespmem:s11+$0xFFFFFFD0] =	vst v11  }
0x1c0: {  	v11 =	vmul.f32 v12, v1;
	v12 =	vld [tilespmem:s10+$0xFFFFFFE0]  }
0x1c1: {  	[tilespmem:s0+$0xFFFFFFE0] =	vst v10;
	v10 =	vmul.f32 v14, v2  }
0x1c2: {  	v14 =	vld [tilespmem:s22+$0xFFFFFFF0];
	v9 =	vmul.f32 v9, v3;
	[tilespmem:s5+$0x60] =	vst v11  }
0x1c3: {  	[tilespmem:s5+$0xFFFFFFE0] =	vst v10;
	v11 =	vld [tilespmem:s7+$0x70];
	v10 =	vmul.f32 v13, v4  }
0x1c4: {  	[tilespmem:s9+$0x60] =	vst v9;
	v13 =	vld [tilespmem:s7+$0xFFFFFFF0];
	v5 =	vmul.f32 v5, v6  }
0x1c5: {  	v9 =	vld [tilespmem:s8+$0x70];
	[tilespmem:s9+$0xFFFFFFE0] =	vst v10;
	v10 =	vmul.f32 v12, v7  }
0x1c6: {  	v12 =	vld [tilespmem:s8+$0xFFFFFFF0];
	[tilespmem:s11+$0x60] =	vst v5  }
0x1c7: {  	v0 =	vmul.f32 v14, v0;
	v5 =	vld [tilespmem:s10+$0x70];
	[tilespmem:s11+$0xFFFFFFE0] =	vst v10  }
0x1c8: {  	[tilespmem:s0+$0x70] =	vst v8;
	v1 =	vmul.f32 v11, v1;
	v8 =	vld [tilespmem:s10+$0xFFFFFFF0]  }
0x1c9: {  	[tilespmem:s0+$0xFFFFFFF0] =	vst v0;
	v0 =	vmul.f32 v13, v2  }
0x1ca: {  	[tilespmem:s5+$0x70] =	vst v1;
	v1 =	vmul.f32 v9, v3  }
0x1cb: {  	[tilespmem:s5+$0xFFFFFFF0] =	vst v0;
	v0 =	vmul.f32 v12, v4  }
0x1cc: {  	[tilespmem:s9+$0x70] =	vst v1;
	v1 =	vmul.f32 v5, v6  }
0x1cd: {  	s13 =	sadd.s32 s4, s1;
	[tilespmem:s9+$0xFFFFFFF0] =	vst v0;
	v0 =	vmul.f32 v8, v7  }
0x1ce: {  	s0 =	sshll.u32 s13, $0x4;
	[tilespmem:s11+$0x70] =	vst v1  }
0x1cf: {  	s16 =	sadd.s32 s1, s14;
	s0 =	sadd.s32 s2, s0;
	[tilespmem:s11+$0xFFFFFFF0] =	vst v0  }
0x1d0: {  	[hbm4b:s0+s3] =	stream.linear.scatter [tilespmem:s24], [sflag:$0x3], $0x6400, $0x38;
	[tilespmem:$0x1DF00] =	vst v63  }
0x1d1: {  	s0 =	sshll.u32 s16, $0x4  }
0x1d2: {  	s0 =	sadd.s32 s6, s0  }
0x1d3: {  	[tilespmem:s19], [sflag:$0x1] =	stream.linear.gather [hbm4b:s0+s3], $0x6400, $0x38;
	[tilespmem:$0x1DF00] =	vst v63  }
0x1d4: {  	s17 =	sadd.s32 $0x2848, s1;
	_ =	swait.ge [sflag:s25], $0x6400  }
0x1d5: {  	v5 =	vmov s17;
	[sflag:s25] =	ssyncset.done $0x0  }
0x1d6: {  	[sflag:s25] =	ssyncadd.s32 $0xFFFF9C00  }
0x1d7: {  	_ =	swait.ge [sflag:s29], $0x6400  }
0x1d8: {  	s18 =	simm.s32 $0x0;
	[sflag:s29] =	ssyncset.done $0x0  }
0x1d9: {  	s7 =	sand.u32 $0xF0, s18;
	[sflag:s29] =	ssyncadd.s32 $0xFFFF9C00  }
0x1da: {  	v0 =	vld.idx.msk [tilespmem:v5+s7+$0x0 ss:$0x1], $0xffff  }
0x1db: {  	s22 =	simm.s32 $0xB380  }
0x1dc: {  	v1 =	vld [tilespmem:s22+$0x0]  }
0x1dd: {  	s8 =	simm.s32 $0x1  }
0x1de: {  	v2 =	vmov s8  }
0x1df: {  	v8 =	vperm.xlane v0, v2;
	_ =	sdelay $0x1  }
0x1e0: {  	v1 =	vmul.f32 v1, v8  }
0x1e1: {  	s0 =	simm.s32 $0x17B80;
	v2 =	vld [tilespmem:s22+$0xFFFFFF80]  }
0x1e2: {  	s5 =	sand.u32 $0xE, s18;
	[tilespmem:s0+$0x0] =	vst v1  }
0x1e3: {  	v1 =	vmov s5;
	v3 =	vld [tilespmem:s22+$0x10]  }
0x1e4: {  	v0 =	vperm.xlane v0, v1;
	_ =	sdelay $0x1  }
0x1e5: {  	v1 =	vmul.f32 v2, v0;
	_ =	sdelay $0x1  }
0x1e6: {  	s9 =	simm.s32 $0x2;
	[tilespmem:s0+$0xFFFFFF80] =	vst v1;
	v1 =	vmul.f32 v3, v8  }
0x1e7: {  	s10 =	sand.u32 $0xF0, s9;
	v2 =	vld [tilespmem:s22+$0xFFFFFF90]  }
0x1e8: {  	v3 =	vld.idx.msk [tilespmem:v5+s10+$0x0 ss:$0x1], $0xffff;
	[tilespmem:s0+$0x10] =	vst v1  }
0x1e9: {  	s7 =	simm.s32 $0xB480;
	v4 =	vld [tilespmem:s22+$0x20]  }
0x1ea: {  	v6 =	vld [tilespmem:s7+$0x0]  }
0x1eb: {  	s11 =	simm.s32 $0x3  }
0x1ec: {  	v1 =	vmov s11;
	v2 =	vmul.f32 v2, v0  }
0x1ed: {  	v1 =	vperm.xlane v3, v1  }
0x1ee: {  	v7 =	vld [tilespmem:s7+$0xFFFFFF80];
	[tilespmem:s0+$0xFFFFFF90] =	vst v2;
	v2 =	vmul.f32 v4, v8  }
0x1ef: {  	s5 =	sand.u32 $0xE, s9;
	v6 =	vmul.f32 v6, v1  }
0x1f0: {  	v9 =	vmov s5;
	s5 =	simm.s32 $0x17C80;
	v4 =	vld [tilespmem:s22+$0xFFFFFFA0];
	[tilespmem:s0+$0x20] =	vst v2  }
0x1f1: {  	[tilespmem:s5+$0x0] =	vst v6;
	v2 =	vperm.xlane v3, v9;
	v3 =	vld [tilespmem:s22+$0x30]  }
0x1f2: {  	v6 =	vld [tilespmem:s7+$0x10]  }
0x1f3: {  	v7 =	vmul.f32 v7, v2;
	_ =	sdelay $0x1  }
0x1f4: {  	s12 =	simm.s32 $0x4;
	v4 =	vmul.f32 v4, v0;
	[tilespmem:s5+$0xFFFFFF80] =	vst v7  }
0x1f5: {  	s13 =	sand.u32 $0xF0, s12;
	v7 =	vld [tilespmem:s7+$0xFFFFFF90];
	v3 =	vmul.f32 v3, v8  }
0x1f6: {  	v9 =	vld.idx.msk [tilespmem:v5+s13+$0x0 ss:$0x1], $0xffff;
	[tilespmem:s0+$0xFFFFFFA0] =	vst v4;
	v6 =	vmul.f32 v6, v1  }
0x1f7: {  	v4 =	vld [tilespmem:s22+$0xFFFFFFB0];
	[tilespmem:s0+$0x30] =	vst v3  }
0x1f8: {  	[tilespmem:s5+$0x10] =	vst v6;
	v6 =	vld [tilespmem:s22+$0x40]  }
0x1f9: {  	s8 =	simm.s32 $0xB580;
	v10 =	vld [tilespmem:s7+$0x20]  }
0x1fa: {  	v3 =	vmul.f32 v7, v2;
	v7 =	vld [tilespmem:s8+$0x0]  }
0x1fb: {  	s16 =	simm.s32 $0x5  }
0x1fc: {  	v11 =	vld [tilespmem:s8+$0xFFFFFF80];
	v4 =	vmul.f32 v4, v0;
	[tilespmem:s5+$0xFFFFFF90] =	vst v3;
	v3 =	vmov s16  }
0x1fd: {  	s9 =	sand.u32 $0xE, s12;
	v3 =	vperm.xlane v9, v3;
	v6 =	vmul.f32 v6, v8  }
0x1fe: {  	[tilespmem:s0+$0xFFFFFFB0] =	vst v4;
	v12 =	vld [tilespmem:s7+$0xFFFFFFA0];
	v4 =	vmov s9;
	v10 =	vmul.f32 v10, v1  }
0x1ff: {  	v13 =	vld [tilespmem:s22+$0xFFFFFFC0];
	v4 =	vperm.xlane v9, v4;
	v7 =	vmul.f32 v7, v3;
	[tilespmem:s0+$0x40] =	vst v6  }
0x200: {  	s9 =	simm.s32 $0x17D80;
	[tilespmem:s5+$0x20] =	vst v10;
	v6 =	vld [tilespmem:s22+$0x50]  }
0x201: {  	v9 =	vmul.f32 v11, v4;
	[tilespmem:s9+$0x0] =	vst v7;
	v7 =	vld [tilespmem:s7+$0x30]  }
0x202: {  	v11 =	vld [tilespmem:s8+$0x10]  }
0x203: {  	s13 =	simm.s32 $0x6;
	v10 =	vmul.f32 v12, v2;
	[tilespmem:s9+$0xFFFFFF80] =	vst v9  }
0x204: {  	s17 =	sand.u32 $0xF0, s13;
	v9 =	vmul.f32 v13, v0;
	v12 =	vld [tilespmem:s8+$0xFFFFFF90]  }
0x205: {  	v13 =	vld.idx.msk [tilespmem:v5+s17+$0x0 ss:$0x1], $0xffff;
	[tilespmem:s5+$0xFFFFFFA0] =	vst v10;
	v6 =	vmul.f32 v6, v8  }
0x206: {  	v10 =	vld [tilespmem:s7+$0xFFFFFFB0];
	[tilespmem:s0+$0xFFFFFFC0] =	vst v9;
	v7 =	vmul.f32 v7, v1  }
0x207: {  	v9 =	vld [tilespmem:s22+$0xFFFFFFD0];
	v11 =	vmul.f32 v11, v3;
	[tilespmem:s0+$0x50] =	vst v6  }
0x208: {  	[tilespmem:s5+$0x30] =	vst v7;
	v6 =	vld [tilespmem:s22+$0x60]  }
0x209: {  	[tilespmem:s9+$0x10] =	vst v11;
	v7 =	vld [tilespmem:s7+$0x40]  }
0x20a: {  	s10 =	simm.s32 $0xB680;
	v11 =	vmul.f32 v12, v4;
	v12 =	vld [tilespmem:s8+$0x20]  }
0x20b: {  	v14 =	vld [tilespmem:s10+$0x0];
	v10 =	vmul.f32 v10, v2  }
0x20c: {  	s18 =	simm.s32 $0x7;
	[tilespmem:s9+$0xFFFFFF90] =	vst v11;
	v9 =	vmul.f32 v9, v0;
	v11 =	vld [tilespmem:s10+$0xFFFFFF80]  }
0x20d: {  	s12 =	sand.u32 $0xE, s13;
	[tilespmem:s5+$0xFFFFFFB0] =	vst v10;
	v10 =	vmov s18;
	v15 =	vld [tilespmem:s8+$0xFFFFFFA0];
	v16 =	vmul.f32 v6, v8  }
0x20e: {  	v17 =	vmov s12;
	[tilespmem:s0+$0xFFFFFFD0] =	vst v9;
	v6 =	vperm.xlane v13, v10;
	v10 =	vld [tilespmem:s7+$0xFFFFFFC0];
	v9 =	vmul.f32 v7, v1  }
0x20f: {  	v7 =	vperm.xlane v13, v17;
	v63 =	vld [tilespmem:s22+$0xFFFFFFE0];
	v12 =	vmul.f32 v12, v3;
	[tilespmem:s0+$0x60] =	vst v16  }
0x210: {  	v13 =	vmul.f32 v14, v6;
	[tilespmem:s5+$0x40] =	vst v9;
	v16 =	vld [tilespmem:s22+$0x70]  }
0x211: {  	s11 =	simm.s32 $0x17E80;
	v14 =	vmul.f32 v11, v7;
	[tilespmem:s9+$0x20] =	vst v12;
	v9 =	vld [tilespmem:s7+$0x50]  }
0x212: {  	v12 =	vmul.f32 v15, v4;
	[tilespmem:s11+$0x0] =	vst v13;
	v11 =	vld [tilespmem:s8+$0x30]  }
0x213: {  	[tilespmem:s11+$0xFFFFFF80] =	vst v14;
	v14 =	vld [tilespmem:s10+$0x10];
	v15 =	vmul.f32 v10, v2  }
0x214: {  	v13 =	vld [tilespmem:s10+$0xFFFFFF90];
	[tilespmem:s9+$0xFFFFFFA0] =	vst v12;
	v10 =	vmul.f32 v63, v0  }
0x215: {  	s12 =	sadd.s32 $0xC8, s1;
	v12 =	vld [tilespmem:s8+$0xFFFFFFB0];
	[tilespmem:s5+$0xFFFFFFC0] =	vst v15;
	v8 =	vmul.f32 v16, v8  }
.LBB2_11:
0x216: {  	v15 =	vld [tilespmem:s7+$0xFFFFFFD0];
	v9 =	vmul.f32 v9, v1;
	[tilespmem:s0+$0xFFFFFFE0] =	vst v10;
	s16 =	smov.u32 s13;
	s13 =	sadd.s32 $0x2, s13  }
0x217: {  	s17 =	sand.u32 $0xF0, s13;
	s18 =	sand.u32 $0xE, s13;
	p0 =	slt.u32 s13, $0xC6;
	v10 =	vmul.f32 v11, v3;
	v11 =	vld [tilespmem:s22+$0xFFFFFFF0];
	[tilespmem:s0+$0x70] =	vst v8  }
0x218: {  	s22 =	smov.u32 s7;
	s7 =	smov.u32 s8;
	s8 =	smov.u32 s10;
	v8 =	vld.idx.msk [tilespmem:v5+s17+$0x0 ss:$0x1], $0xffff;
	v16 =	vmov s18;
	v14 =	vmul.f32 v14, v6;
	[tilespmem:s5+$0x50] =	vst v9  }
0x219: {  	v9 =	vmul.f32 v13, v7;
	[tilespmem:s9+$0x30] =	vst v10;
	v10 =	vld [tilespmem:s22+$0x60]  }
0x21a: {  	[tilespmem:s11+$0x10] =	vst v14;
	v12 =	vmul.f32 v12, v4;
	v13 =	vld [tilespmem:s7+$0x40]  }
0x21b: {  	s10 =	sadd.s32 $0x100, s10;
	[tilespmem:s11+$0xFFFFFF90] =	vst v9;
	v9 =	vld [tilespmem:s8+$0x20];
	v14 =	vmul.f32 v15, v2  }
0x21c: {  	v15 =	vld [tilespmem:s10+$0x0];
	[tilespmem:s9+$0xFFFFFFB0] =	vst v12;
	v11 =	vmul.f32 v11, v0;
	v0 =	vmovc v2;
	v2 =	vmov v4;
	v4 =	vmov v7  }
0x21d: {  	s16 =	sadd.s32 $0x3, s16;
	v12 =	vld [tilespmem:s10+$0xFFFFFF80];
	[tilespmem:s5+$0xFFFFFFD0] =	vst v14  }
0x21e: {  	v7 =	vperm.xlane v8, v16;
	v14 =	vmov s16;
	v16 =	vld [tilespmem:s8+$0xFFFFFFA0];
	v10 =	vmul.f32 v10, v1;
	[tilespmem:s0+$0xFFFFFFF0] =	vst v11;
	s0 =	smov.u32 s5;
	s5 =	smov.u32 s9;
	s9 =	smov.u32 s11  }
0x21f: {  	v17 =	vperm.xlane v8, v14;
	v8 =	vld [tilespmem:s7+$0xFFFFFFC0];
	v11 =	vmul.f32 v13, v3  }
0x220: {  	v9 =	vmul.f32 v9, v6;
	v18 =	vld [tilespmem:s22+$0xFFFFFFE0];
	[tilespmem:s0+$0x60] =	vst v10  }
0x221: {  	v10 =	vmul.f32 v15, v17;
	[tilespmem:s5+$0x40] =	vst v11;
	v15 =	vld [tilespmem:s22+$0x70]  }
.Ltmp4:
0x222: {  	s11 =	sadd.s32 $0x100, s11;
	v12 =	vmul.f32 v12, v7;
	[tilespmem:s9+$0x20] =	vst v9;
	v9 =	vld [tilespmem:s7+$0x50];
	(pc) =	sbr.rel @p0 .LBB2_11-.Ltmp4, $4  }
0x223: {  	[tilespmem:s11+$0x0] =	vst v10;
	v10 =	vmul.f32 v16, v4;
	v11 =	vld [tilespmem:s8+$0x30]  }
0x224: {  	[tilespmem:s11+$0xFFFFFF80] =	vst v12;
	v14 =	vld [tilespmem:s10+$0x10];
	v8 =	vmul.f32 v8, v2  }
0x225: {  	v13 =	vld [tilespmem:s10+$0xFFFFFF90];
	[tilespmem:s9+$0xFFFFFFA0] =	vst v10;
	v10 =	vmul.f32 v18, v0  }
0x226: {  	v12 =	vld [tilespmem:s8+$0xFFFFFFB0];
	[tilespmem:s5+$0xFFFFFFC0] =	vst v8;
	v8 =	vmul.f32 v15, v1;
	v1 =	vmovc v3;
	v3 =	vmov v6;
	v6 =	vmov v17  }
0x227: {  	_ =	sdelay $0x1  }
0x228: {  	v5 =	vmul.f32 v14, v6  }
0x229: {  	v13 =	vmul.f32 v13, v7  }
0x22a: {  	[tilespmem:s11+$0x10] =	vst v5  }
0x22b: {  	[tilespmem:s11+$0xFFFFFF90] =	vst v13;
	v5 =	vld [tilespmem:s10+$0x20]  }
0x22c: {  	v13 =	vld [tilespmem:s10+$0xFFFFFFA0];
	_ =	sdelay $0x3  }
0x22d: {  	v5 =	vmul.f32 v5, v6  }
0x22e: {  	v13 =	vmul.f32 v13, v7  }
0x22f: {  	[tilespmem:s11+$0x20] =	vst v5  }
0x230: {  	v5 =	vld [tilespmem:s10+$0x30];
	[tilespmem:s11+$0xFFFFFFA0] =	vst v13  }
0x231: {  	v13 =	vld [tilespmem:s10+$0xFFFFFFB0];
	_ =	sdelay $0x1  }
0x232: {  	v11 =	vmul.f32 v11, v3  }
0x233: {  	v12 =	vmul.f32 v12, v4  }
0x234: {  	[tilespmem:s9+$0x30] =	vst v11;
	v5 =	vmul.f32 v5, v6  }
0x235: {  	v11 =	vld [tilespmem:s8+$0x40];
	[tilespmem:s9+$0xFFFFFFB0] =	vst v12;
	v46 =	vmul.f32 v13, v7  }
0x236: {  	v47 =	vld [tilespmem:s8+$0xFFFFFFC0];
	[tilespmem:s11+$0x30] =	vst v5  }
0x237: {  	v5 =	vld [tilespmem:s10+$0x40];
	[tilespmem:s11+$0xFFFFFFB0] =	vst v46  }
0x238: {  	v12 =	vld [tilespmem:s10+$0xFFFFFFC0];
	_ =	sdelay $0x1  }
0x239: {  	v11 =	vmul.f32 v11, v3  }
0x23a: {  	v48 =	vld [tilespmem:s7+$0xFFFFFFD0];
	v13 =	vmul.f32 v47, v4  }
0x23b: {  	[tilespmem:s9+$0x40] =	vst v11;
	v5 =	vmul.f32 v5, v6  }
0x23c: {  	v11 =	vld [tilespmem:s8+$0x50];
	[tilespmem:s9+$0xFFFFFFC0] =	vst v13;
	v12 =	vmul.f32 v12, v7  }
0x23d: {  	v13 =	vld [tilespmem:s8+$0xFFFFFFD0];
	[tilespmem:s11+$0x40] =	vst v5  }
0x23e: {  	v5 =	vld [tilespmem:s10+$0x50];
	[tilespmem:s11+$0xFFFFFFC0] =	vst v12  }
0x23f: {  	v14 =	vmul.f32 v48, v2;
	v12 =	vld [tilespmem:s10+$0xFFFFFFD0]  }
0x240: {  	v9 =	vmul.f32 v9, v1  }
0x241: {  	[tilespmem:s5+$0xFFFFFFD0] =	vst v14;
	v49 =	vmul.f32 v11, v3  }
0x242: {  	[tilespmem:s5+$0x50] =	vst v9;
	v14 =	vld [tilespmem:s7+$0xFFFFFFE0];
	v13 =	vmul.f32 v13, v4  }
0x243: {  	v50 =	vld [tilespmem:s7+$0x60];
	[tilespmem:s9+$0x50] =	vst v49;
	v5 =	vmul.f32 v5, v6  }
0x244: {  	v9 =	vld [tilespmem:s8+$0x60];
	[tilespmem:s9+$0xFFFFFFD0] =	vst v13;
	v12 =	vmul.f32 v12, v7  }
0x245: {  	v13 =	vld [tilespmem:s8+$0xFFFFFFE0];
	[tilespmem:s11+$0x50] =	vst v5  }
0x246: {  	v5 =	vld [tilespmem:s10+$0x60];
	[tilespmem:s11+$0xFFFFFFD0] =	vst v12  }
0x247: {  	v51 =	vmul.f32 v14, v2;
	v12 =	vld [tilespmem:s10+$0xFFFFFFE0]  }
0x248: {  	[tilespmem:s0+$0xFFFFFFE0] =	vst v10;
	v11 =	vmul.f32 v50, v1  }
0x249: {  	v52 =	vld [tilespmem:s22+$0xFFFFFFF0];
	[tilespmem:s5+$0xFFFFFFE0] =	vst v51;
	v9 =	vmul.f32 v9, v3  }
0x24a: {  	v54 =	vld [tilespmem:s7+$0xFFFFFFF0];
	[tilespmem:s5+$0x60] =	vst v11;
	v53 =	vmul.f32 v13, v4  }
0x24b: {  	v11 =	vld [tilespmem:s7+$0x70];
	[tilespmem:s9+$0x60] =	vst v9;
	v5 =	vmul.f32 v5, v6  }
0x24c: {  	v9 =	vld [tilespmem:s8+$0x70];
	[tilespmem:s9+$0xFFFFFFE0] =	vst v53;
	v55 =	vmul.f32 v12, v7  }
0x24d: {  	v56 =	vld [tilespmem:s8+$0xFFFFFFF0];
	[tilespmem:s11+$0x60] =	vst v5  }
0x24e: {  	v0 =	vmul.f32 v52, v0;
	v5 =	vld [tilespmem:s10+$0x70];
	[tilespmem:s11+$0xFFFFFFE0] =	vst v55  }
0x24f: {  	[tilespmem:s0+$0x70] =	vst v8;
	v59 =	vmul.f32 v54, v2;
	v58 =	vld [tilespmem:s10+$0xFFFFFFF0]  }
0x250: {  	[tilespmem:s0+$0xFFFFFFF0] =	vst v0;
	v57 =	vmul.f32 v11, v1  }
0x251: {  	[tilespmem:s5+$0xFFFFFFF0] =	vst v59;
	v60 =	vmul.f32 v9, v3  }
0x252: {  	[tilespmem:s5+$0x70] =	vst v57;
	v61 =	vmul.f32 v56, v4  }
0x253: {  	[tilespmem:s9+$0x70] =	vst v60;
	v62 =	vmul.f32 v5, v6  }
0x254: {  	s18 =	sadd.s32 s4, s12;
	s31 =	sadd.s32 $0x1, s31;
	[tilespmem:s9+$0xFFFFFFF0] =	vst v61;
	v63 =	vmul.f32 v58, v7  }
0x255: {  	p0 =	sne.s32 s31, $0x18;
	s0 =	sshll.u32 s18, $0x4;
	[tilespmem:s11+$0x70] =	vst v62  }
.Ltmp5:
0x256: {  	s22 =	sadd.s32 s1, s15;
	s0 =	sadd.s32 s2, s0;
	[tilespmem:s11+$0xFFFFFFF0] =	vst v63;
	(pc) =	sbr.rel @p0 .LBB2_8-.Ltmp5, $4  }
0x257: {  	[hbm4b:s0+s3] =	stream.linear.scatter [tilespmem:s26], [sflag:$0x4], $0x6400, $0x38;
	[tilespmem:$0x1DF00] =	vst v63  }
0x258: {  	s0 =	sshll.u32 s22, $0x4  }
0x259: {  	s0 =	sadd.s32 s6, s0  }
0x25a: {  	[tilespmem:s20], [sflag:$0x2] =	stream.linear.gather [hbm4b:s0+s3], $0x6400, $0x38;
	[tilespmem:$0x1DF00] =	vst v63  }
0x25b: {  	_ =	swait.ge [sflag:s23], $0x6400  }
0x25c: {  	[sflag:s23] =	ssyncset.done $0x0  }
0x25d: {  	[sflag:s23] =	ssyncadd.s32 $0xFFFF9C00  }
0x25e: {  	_ =	swait.ge [sflag:s28], $0x6400  }
0x25f: {  	s5 =	simm.s32 $0x0;
	[sflag:s28] =	ssyncset.done $0x0  }
0x260: {  	s0 =	sand.u32 $0xF0, s5;
	[sflag:s28] =	ssyncadd.s32 $0xFFFF9C00  }
0x261: {  	v0 =	vld [tilespmem:s0+$0x4D00]  }
0x262: {  	s1 =	simm.s32 $0x4F80  }
0x263: {  	v1 =	vld [tilespmem:s1+$0x0]  }
0x264: {  	s16 =	simm.s32 $0x1  }
0x265: {  	v2 =	vmov s16  }
0x266: {  	v7 =	vperm.xlane v0, v2;
	_ =	sdelay $0x1  }
0x267: {  	v1 =	vmul.f32 v1, v7  }
0x268: {  	s0 =	simm.s32 $0x11780;
	v2 =	vld [tilespmem:s1+$0xFFFFFF80]  }
0x269: {  	s5 =	sand.u32 $0xE, s5;
	[tilespmem:s0+$0x0] =	vst v1  }
0x26a: {  	v1 =	vmov s5;
	v3 =	vld [tilespmem:s1+$0x10]  }
0x26b: {  	v0 =	vperm.xlane v0, v1;
	_ =	sdelay $0x1  }
0x26c: {  	v1 =	vmul.f32 v2, v0;
	_ =	sdelay $0x1  }
0x26d: {  	s17 =	simm.s32 $0x2;
	[tilespmem:s0+$0xFFFFFF80] =	vst v1;
	v1 =	vmul.f32 v3, v7  }
0x26e: {  	s7 =	sand.u32 $0xF0, s17;
	v2 =	vld [tilespmem:s1+$0xFFFFFF90]  }
0x26f: {  	v3 =	vld [tilespmem:s7+$0x4D00];
	[tilespmem:s0+$0x10] =	vst v1  }
0x270: {  	s7 =	simm.s32 $0x5080;
	v4 =	vld [tilespmem:s1+$0x20]  }
0x271: {  	v5 =	vld [tilespmem:s7+$0x0]  }
0x272: {  	s8 =	simm.s32 $0x3  }
0x273: {  	v1 =	vmov s8;
	v2 =	vmul.f32 v2, v0  }
0x274: {  	v1 =	vperm.xlane v3, v1  }
0x275: {  	v6 =	vld [tilespmem:s7+$0xFFFFFF80];
	[tilespmem:s0+$0xFFFFFF90] =	vst v2;
	v2 =	vmul.f32 v4, v7  }
0x276: {  	s5 =	sand.u32 $0xE, s17;
	v5 =	vmul.f32 v5, v1  }
0x277: {  	v8 =	vmov s5;
	s5 =	simm.s32 $0x11880;
	v4 =	vld [tilespmem:s1+$0xFFFFFFA0];
	[tilespmem:s0+$0x20] =	vst v2  }
0x278: {  	[tilespmem:s5+$0x0] =	vst v5;
	v2 =	vperm.xlane v3, v8;
	v3 =	vld [tilespmem:s1+$0x30]  }
0x279: {  	v5 =	vld [tilespmem:s7+$0x10]  }
0x27a: {  	v6 =	vmul.f32 v6, v2;
	_ =	sdelay $0x1  }
0x27b: {  	s9 =	simm.s32 $0x4;
	v4 =	vmul.f32 v4, v0;
	[tilespmem:s5+$0xFFFFFF80] =	vst v6  }
0x27c: {  	s18 =	sand.u32 $0xF0, s9;
	v6 =	vld [tilespmem:s7+$0xFFFFFF90];
	v3 =	vmul.f32 v3, v7  }
0x27d: {  	v8 =	vld [tilespmem:s18+$0x4D00];
	[tilespmem:s0+$0xFFFFFFA0] =	vst v4;
	v5 =	vmul.f32 v5, v1  }
0x27e: {  	v4 =	vld [tilespmem:s1+$0xFFFFFFB0];
	[tilespmem:s0+$0x30] =	vst v3  }
0x27f: {  	[tilespmem:s5+$0x10] =	vst v5;
	v5 =	vld [tilespmem:s1+$0x40]  }
0x280: {  	s8 =	simm.s32 $0x5180;
	v9 =	vld [tilespmem:s7+$0x20]  }
0x281: {  	v3 =	vmul.f32 v6, v2;
	v6 =	vld [tilespmem:s8+$0x0]  }
0x282: {  	s10 =	simm.s32 $0x5  }
0x283: {  	v10 =	vld [tilespmem:s8+$0xFFFFFF80];
	v4 =	vmul.f32 v4, v0;
	[tilespmem:s5+$0xFFFFFF90] =	vst v3;
	v3 =	vmov s10  }
0x284: {  	s9 =	sand.u32 $0xE, s9;
	v3 =	vperm.xlane v8, v3;
	v5 =	vmul.f32 v5, v7  }
0x285: {  	[tilespmem:s0+$0xFFFFFFB0] =	vst v4;
	v11 =	vld [tilespmem:s7+$0xFFFFFFA0];
	v4 =	vmov s9;
	v9 =	vmul.f32 v9, v1  }
0x286: {  	v12 =	vld [tilespmem:s1+$0xFFFFFFC0];
	v4 =	vperm.xlane v8, v4;
	v6 =	vmul.f32 v6, v3;
	[tilespmem:s0+$0x40] =	vst v5  }
0x287: {  	s9 =	simm.s32 $0x11980;
	[tilespmem:s5+$0x20] =	vst v9;
	v5 =	vld [tilespmem:s1+$0x50]  }
0x288: {  	v8 =	vmul.f32 v10, v4;
	[tilespmem:s9+$0x0] =	vst v6;
	v6 =	vld [tilespmem:s7+$0x30]  }
0x289: {  	v10 =	vld [tilespmem:s8+$0x10]  }
0x28a: {  	s12 =	simm.s32 $0x6;
	v9 =	vmul.f32 v11, v2;
	[tilespmem:s9+$0xFFFFFF80] =	vst v8  }
0x28b: {  	s22 =	sand.u32 $0xF0, s12;
	v8 =	vmul.f32 v12, v0;
	v11 =	vld [tilespmem:s8+$0xFFFFFF90]  }
0x28c: {  	v12 =	vld [tilespmem:s22+$0x4D00];
	[tilespmem:s5+$0xFFFFFFA0] =	vst v9;
	v5 =	vmul.f32 v5, v7  }
0x28d: {  	v9 =	vld [tilespmem:s7+$0xFFFFFFB0];
	[tilespmem:s0+$0xFFFFFFC0] =	vst v8;
	v6 =	vmul.f32 v6, v1  }
0x28e: {  	v8 =	vld [tilespmem:s1+$0xFFFFFFD0];
	v10 =	vmul.f32 v10, v3;
	[tilespmem:s0+$0x50] =	vst v5  }
0x28f: {  	[tilespmem:s5+$0x30] =	vst v6;
	v5 =	vld [tilespmem:s1+$0x60]  }
0x290: {  	[tilespmem:s9+$0x10] =	vst v10;
	v6 =	vld [tilespmem:s7+$0x40]  }
0x291: {  	s10 =	simm.s32 $0x5280;
	v10 =	vmul.f32 v11, v4;
	v11 =	vld [tilespmem:s8+$0x20]  }
0x292: {  	v13 =	vld [tilespmem:s10+$0x0];
	v9 =	vmul.f32 v9, v2  }
0x293: {  	s11 =	simm.s32 $0x7;
	[tilespmem:s9+$0xFFFFFF90] =	vst v10;
	v8 =	vmul.f32 v8, v0;
	v10 =	vld [tilespmem:s10+$0xFFFFFF80]  }
0x294: {  	v14 =	vmov s11;
	s31 =	sand.u32 $0xE, s12;
	[tilespmem:s5+$0xFFFFFFB0] =	vst v9;
	v9 =	vld [tilespmem:s8+$0xFFFFFFA0];
	v15 =	vmul.f32 v5, v7  }
0x295: {  	v16 =	vmov s31;
	[tilespmem:s0+$0xFFFFFFD0] =	vst v8;
	v5 =	vperm.xlane v12, v14;
	v14 =	vld [tilespmem:s7+$0xFFFFFFC0];
	v8 =	vmul.f32 v6, v1  }
0x296: {  	v6 =	vperm.xlane v12, v16;
	v63 =	vld [tilespmem:s1+$0xFFFFFFE0];
	v11 =	vmul.f32 v11, v3;
	[tilespmem:s0+$0x60] =	vst v15  }
0x297: {  	v12 =	vmul.f32 v13, v5;
	[tilespmem:s5+$0x40] =	vst v8;
	v15 =	vld [tilespmem:s1+$0x70]  }
0x298: {  	s11 =	simm.s32 $0x11A80;
	v10 =	vmul.f32 v10, v6;
	[tilespmem:s9+$0x20] =	vst v11;
	v8 =	vld [tilespmem:s7+$0x50]  }
0x299: {  	v9 =	vmul.f32 v9, v4;
	[tilespmem:s11+$0x0] =	vst v12;
	v11 =	vld [tilespmem:s8+$0x30]  }
0x29a: {  	[tilespmem:s11+$0xFFFFFF80] =	vst v10;
	v13 =	vld [tilespmem:s10+$0x10];
	v14 =	vmul.f32 v14, v2  }
0x29b: {  	v12 =	vld [tilespmem:s10+$0xFFFFFF90];
	[tilespmem:s9+$0xFFFFFFA0] =	vst v9;
	v9 =	vmul.f32 v63, v0  }
0x29c: {  	v10 =	vld [tilespmem:s8+$0xFFFFFFB0];
	[tilespmem:s5+$0xFFFFFFC0] =	vst v14;
	v7 =	vmul.f32 v15, v7  }
.LBB2_14:
0x29d: {  	v14 =	vld [tilespmem:s7+$0xFFFFFFD0];
	v8 =	vmul.f32 v8, v1;
	[tilespmem:s0+$0xFFFFFFE0] =	vst v9;
	s13 =	smov.u32 s12;
	s12 =	sadd.s32 $0x2, s12  }
0x29e: {  	s16 =	sand.u32 $0xF0, s12;
	s17 =	sand.u32 $0xE, s12;
	v9 =	vmul.f32 v11, v3;
	v11 =	vld [tilespmem:s1+$0xFFFFFFF0];
	[tilespmem:s0+$0x70] =	vst v7;
	s1 =	smov.u32 s7  }
0x29f: {  	p0 =	slt.u32 s12, $0xC6;
	s7 =	smov.u32 s8;
	s8 =	smov.u32 s10;
	v7 =	vld [tilespmem:s16+$0x4D00];
	v15 =	vmov s17;
	v13 =	vmul.f32 v13, v5;
	[tilespmem:s5+$0x50] =	vst v8  }
0x2a0: {  	v8 =	vmul.f32 v12, v6;
	[tilespmem:s9+$0x30] =	vst v9;
	v9 =	vld [tilespmem:s1+$0x60]  }
0x2a1: {  	[tilespmem:s11+$0x10] =	vst v13;
	v10 =	vmul.f32 v10, v4;
	v12 =	vld [tilespmem:s7+$0x40]  }
0x2a2: {  	s10 =	sadd.s32 $0x100, s10;
	[tilespmem:s11+$0xFFFFFF90] =	vst v8;
	v8 =	vld [tilespmem:s8+$0x20];
	v13 =	vmul.f32 v14, v2  }
0x2a3: {  	v14 =	vld [tilespmem:s10+$0x0];
	[tilespmem:s9+$0xFFFFFFB0] =	vst v10;
	v10 =	vmul.f32 v11, v0;
	v0 =	vmovc v2;
	v2 =	vmov v4;
	v4 =	vmov v6  }
0x2a4: {  	s13 =	sadd.s32 $0x3, s13;
	v6 =	vperm.xlane v7, v15;
	v11 =	vld [tilespmem:s10+$0xFFFFFF80];
	[tilespmem:s5+$0xFFFFFFD0] =	vst v13  }
0x2a5: {  	v13 =	vmov s13;
	v15 =	vld [tilespmem:s8+$0xFFFFFFA0];
	v9 =	vmul.f32 v9, v1;
	[tilespmem:s0+$0xFFFFFFF0] =	vst v10;
	s0 =	smov.u32 s5;
	s5 =	smov.u32 s9;
	s9 =	smov.u32 s11  }
0x2a6: {  	v16 =	vperm.xlane v7, v13;
	v7 =	vld [tilespmem:s7+$0xFFFFFFC0];
	v10 =	vmul.f32 v12, v3  }
0x2a7: {  	v8 =	vmul.f32 v8, v5;
	v17 =	vld [tilespmem:s1+$0xFFFFFFE0];
	[tilespmem:s0+$0x60] =	vst v9  }
0x2a8: {  	v9 =	vmul.f32 v14, v16;
	[tilespmem:s5+$0x40] =	vst v10;
	v14 =	vld [tilespmem:s1+$0x70]  }
.Ltmp6:
0x2a9: {  	s11 =	sadd.s32 $0x100, s11;
	v10 =	vmul.f32 v11, v6;
	[tilespmem:s9+$0x20] =	vst v8;
	v8 =	vld [tilespmem:s7+$0x50];
	(pc) =	sbr.rel @p0 .LBB2_14-.Ltmp6, $4  }
0x2aa: {  	[tilespmem:s11+$0x0] =	vst v9;
	v9 =	vmul.f32 v15, v4;
	v11 =	vld [tilespmem:s8+$0x30]  }
0x2ab: {  	[tilespmem:s11+$0xFFFFFF80] =	vst v10;
	v13 =	vld [tilespmem:s10+$0x10];
	v7 =	vmul.f32 v7, v2  }
0x2ac: {  	v12 =	vld [tilespmem:s10+$0xFFFFFF90];
	[tilespmem:s9+$0xFFFFFFA0] =	vst v9;
	v9 =	vmul.f32 v17, v0  }
0x2ad: {  	v10 =	vld [tilespmem:s8+$0xFFFFFFB0];
	[tilespmem:s5+$0xFFFFFFC0] =	vst v7;
	v7 =	vmul.f32 v14, v1;
	v1 =	vmovc v3;
	v3 =	vmov v5;
	v5 =	vmov v16  }
0x2ae: {  	_ =	sdelay $0x1  }
0x2af: {  	v13 =	vmul.f32 v13, v5  }
0x2b0: {  	v12 =	vmul.f32 v12, v6  }
0x2b1: {  	[tilespmem:s11+$0x10] =	vst v13  }
0x2b2: {  	[tilespmem:s11+$0xFFFFFF90] =	vst v12;
	v12 =	vld [tilespmem:s10+$0x20]  }
0x2b3: {  	v13 =	vld [tilespmem:s10+$0xFFFFFFA0];
	_ =	sdelay $0x3  }
0x2b4: {  	v12 =	vmul.f32 v12, v5  }
0x2b5: {  	v13 =	vmul.f32 v13, v6  }
0x2b6: {  	[tilespmem:s11+$0x20] =	vst v12  }
0x2b7: {  	v12 =	vld [tilespmem:s10+$0x30];
	[tilespmem:s11+$0xFFFFFFA0] =	vst v13  }
0x2b8: {  	v13 =	vld [tilespmem:s10+$0xFFFFFFB0];
	_ =	sdelay $0x1  }
0x2b9: {  	v11 =	vmul.f32 v11, v3  }
0x2ba: {  	v10 =	vmul.f32 v10, v4  }
0x2bb: {  	[tilespmem:s9+$0x30] =	vst v11;
	v11 =	vmul.f32 v12, v5  }
0x2bc: {  	[tilespmem:s9+$0xFFFFFFB0] =	vst v10;
	v12 =	vld [tilespmem:s8+$0x40];
	v10 =	vmul.f32 v13, v6  }
0x2bd: {  	v13 =	vld [tilespmem:s8+$0xFFFFFFC0];
	[tilespmem:s11+$0x30] =	vst v11  }
0x2be: {  	v11 =	vld [tilespmem:s10+$0x40];
	[tilespmem:s11+$0xFFFFFFB0] =	vst v10  }
0x2bf: {  	v10 =	vld [tilespmem:s10+$0xFFFFFFC0];
	_ =	sdelay $0x1  }
0x2c0: {  	v12 =	vmul.f32 v12, v3  }
0x2c1: {  	v13 =	vmul.f32 v13, v4  }
0x2c2: {  	v14 =	vld [tilespmem:s7+$0xFFFFFFD0];
	[tilespmem:s9+$0x40] =	vst v12;
	v11 =	vmul.f32 v11, v5  }
0x2c3: {  	v12 =	vld [tilespmem:s8+$0x50];
	[tilespmem:s9+$0xFFFFFFC0] =	vst v13;
	v10 =	vmul.f32 v10, v6  }
0x2c4: {  	v13 =	vld [tilespmem:s8+$0xFFFFFFD0];
	[tilespmem:s11+$0x40] =	vst v11  }
0x2c5: {  	v11 =	vld [tilespmem:s10+$0x50];
	[tilespmem:s11+$0xFFFFFFC0] =	vst v10  }
0x2c6: {  	v8 =	vmul.f32 v8, v1;
	v10 =	vld [tilespmem:s10+$0xFFFFFFD0]  }
0x2c7: {  	v14 =	vmul.f32 v14, v2  }
0x2c8: {  	[tilespmem:s5+$0x50] =	vst v8;
	v8 =	vmul.f32 v12, v3  }
0x2c9: {  	[tilespmem:s5+$0xFFFFFFD0] =	vst v14;
	v12 =	vld [tilespmem:s7+$0x60];
	v13 =	vmul.f32 v13, v4  }
0x2ca: {  	v14 =	vld [tilespmem:s7+$0xFFFFFFE0];
	[tilespmem:s9+$0x50] =	vst v8;
	v8 =	vmul.f32 v11, v5  }
0x2cb: {  	v11 =	vld [tilespmem:s8+$0x60];
	[tilespmem:s9+$0xFFFFFFD0] =	vst v13;
	v10 =	vmul.f32 v10, v6  }
0x2cc: {  	v13 =	vld [tilespmem:s8+$0xFFFFFFE0];
	[tilespmem:s11+$0x50] =	vst v8  }
0x2cd: {  	v8 =	vld [tilespmem:s10+$0x60];
	[tilespmem:s11+$0xFFFFFFD0] =	vst v10  }
0x2ce: {  	v10 =	vmul.f32 v12, v1;
	v12 =	vld [tilespmem:s10+$0xFFFFFFE0]  }
0x2cf: {  	[tilespmem:s0+$0xFFFFFFE0] =	vst v9;
	v9 =	vmul.f32 v14, v2  }
0x2d0: {  	v14 =	vld [tilespmem:s1+$0xFFFFFFF0];
	[tilespmem:s5+$0x60] =	vst v10;
	v10 =	vmul.f32 v11, v3  }
0x2d1: {  	[tilespmem:s5+$0xFFFFFFE0] =	vst v9;
	v11 =	vld [tilespmem:s7+$0x70];
	v9 =	vmul.f32 v13, v4  }
0x2d2: {  	v13 =	vld [tilespmem:s7+$0xFFFFFFF0];
	[tilespmem:s9+$0x60] =	vst v10;
	v8 =	vmul.f32 v8, v5  }
0x2d3: {  	v10 =	vld [tilespmem:s8+$0x70];
	[tilespmem:s9+$0xFFFFFFE0] =	vst v9;
	v9 =	vmul.f32 v12, v6  }
0x2d4: {  	v12 =	vld [tilespmem:s8+$0xFFFFFFF0];
	[tilespmem:s11+$0x60] =	vst v8  }
0x2d5: {  	v0 =	vmul.f32 v14, v0;
	v8 =	vld [tilespmem:s10+$0x70];
	[tilespmem:s11+$0xFFFFFFE0] =	vst v9  }
0x2d6: {  	[tilespmem:s0+$0x70] =	vst v7;
	v1 =	vmul.f32 v11, v1;
	v7 =	vld [tilespmem:s10+$0xFFFFFFF0]  }
0x2d7: {  	[tilespmem:s0+$0xFFFFFFF0] =	vst v0;
	v0 =	vmul.f32 v13, v2  }
0x2d8: {  	[tilespmem:s5+$0x70] =	vst v1;
	v1 =	vmul.f32 v10, v3  }
0x2d9: {  	[tilespmem:s5+$0xFFFFFFF0] =	vst v0;
	v0 =	vmul.f32 v12, v4  }
0x2da: {  	[tilespmem:s9+$0x70] =	vst v1;
	v1 =	vmul.f32 v8, v5  }
0x2db: {  	[tilespmem:s9+$0xFFFFFFF0] =	vst v0;
	v0 =	vmul.f32 v7, v6  }
0x2dc: {  	[tilespmem:s11+$0x70] =	vst v1  }
0x2dd: {  	[tilespmem:s11+$0xFFFFFFF0] =	vst v0  }
0x2de: {  	s0 =	rddreg [dreg:$0xb]  }
0x2df: {  	[hbm4b:s0+s3] =	stream.linear.scatter [tilespmem:s24], [sflag:$0x3], $0x6400, $0x38;
	[tilespmem:$0x1DF00] =	vst v63  }
0x2e0: {  	_ =	swait.ge [sflag:s25], $0x6400  }
0x2e1: {  	[sflag:s25] =	ssyncset.done $0x0  }
0x2e2: {  	[sflag:s25] =	ssyncadd.s32 $0xFFFF9C00  }
0x2e3: {  	_ =	swait.ge [sflag:s29], $0x6400  }
0x2e4: {  	s7 =	simm.s32 $0x0;
	[sflag:s29] =	ssyncset.done $0x0  }
0x2e5: {  	s8 =	sand.u32 $0xF0, s7;
	[sflag:s29] =	ssyncadd.s32 $0xFFFF9C00  }
0x2e6: {  	v0 =	vld [tilespmem:s8+$0x4DC8]  }
0x2e7: {  	s1 =	simm.s32 $0xB380  }
0x2e8: {  	v1 =	vld [tilespmem:s1+$0x0]  }
0x2e9: {  	s9 =	simm.s32 $0x1  }
0x2ea: {  	v2 =	vmov s9  }
0x2eb: {  	v7 =	vperm.xlane v0, v2;
	_ =	sdelay $0x1  }
0x2ec: {  	v1 =	vmul.f32 v1, v7  }
0x2ed: {  	s0 =	simm.s32 $0x17B80;
	v2 =	vld [tilespmem:s1+$0xFFFFFF80]  }
0x2ee: {  	s5 =	sand.u32 $0xE, s7;
	[tilespmem:s0+$0x0] =	vst v1  }
0x2ef: {  	v1 =	vmov s5;
	v3 =	vld [tilespmem:s1+$0x10]  }
0x2f0: {  	v0 =	vperm.xlane v0, v1;
	_ =	sdelay $0x1  }
0x2f1: {  	v1 =	vmul.f32 v2, v0;
	_ =	sdelay $0x1  }
0x2f2: {  	s10 =	simm.s32 $0x2;
	[tilespmem:s0+$0xFFFFFF80] =	vst v1;
	v1 =	vmul.f32 v3, v7  }
0x2f3: {  	s11 =	sand.u32 $0xF0, s10;
	v2 =	vld [tilespmem:s1+$0xFFFFFF90]  }
0x2f4: {  	v3 =	vld [tilespmem:s11+$0x4DC8];
	[tilespmem:s0+$0x10] =	vst v1  }
0x2f5: {  	s7 =	simm.s32 $0xB480;
	v4 =	vld [tilespmem:s1+$0x20]  }
0x2f6: {  	v5 =	vld [tilespmem:s7+$0x0]  }
0x2f7: {  	s12 =	simm.s32 $0x3  }
0x2f8: {  	v1 =	vmov s12;
	v2 =	vmul.f32 v2, v0  }
0x2f9: {  	v1 =	vperm.xlane v3, v1  }
0x2fa: {  	v6 =	vld [tilespmem:s7+$0xFFFFFF80];
	[tilespmem:s0+$0xFFFFFF90] =	vst v2;
	v2 =	vmul.f32 v4, v7  }
0x2fb: {  	s5 =	sand.u32 $0xE, s10;
	v5 =	vmul.f32 v5, v1  }
0x2fc: {  	v8 =	vmov s5;
	s5 =	simm.s32 $0x17C80;
	v4 =	vld [tilespmem:s1+$0xFFFFFFA0];
	[tilespmem:s0+$0x20] =	vst v2  }
0x2fd: {  	[tilespmem:s5+$0x0] =	vst v5;
	v2 =	vperm.xlane v3, v8;
	v3 =	vld [tilespmem:s1+$0x30]  }
0x2fe: {  	v5 =	vld [tilespmem:s7+$0x10]  }
0x2ff: {  	v6 =	vmul.f32 v6, v2;
	_ =	sdelay $0x1  }
0x300: {  	s13 =	simm.s32 $0x4;
	v4 =	vmul.f32 v4, v0;
	[tilespmem:s5+$0xFFFFFF80] =	vst v6  }
0x301: {  	s16 =	sand.u32 $0xF0, s13;
	v6 =	vld [tilespmem:s7+$0xFFFFFF90];
	v3 =	vmul.f32 v3, v7  }
0x302: {  	v8 =	vld [tilespmem:s16+$0x4DC8];
	[tilespmem:s0+$0xFFFFFFA0] =	vst v4;
	v5 =	vmul.f32 v5, v1  }
0x303: {  	v4 =	vld [tilespmem:s1+$0xFFFFFFB0];
	[tilespmem:s0+$0x30] =	vst v3  }
0x304: {  	[tilespmem:s5+$0x10] =	vst v5;
	v5 =	vld [tilespmem:s1+$0x40]  }
0x305: {  	s8 =	simm.s32 $0xB580;
	v9 =	vld [tilespmem:s7+$0x20]  }
0x306: {  	v3 =	vmul.f32 v6, v2;
	v6 =	vld [tilespmem:s8+$0x0]  }
0x307: {  	s17 =	simm.s32 $0x5  }
0x308: {  	v10 =	vld [tilespmem:s8+$0xFFFFFF80];
	v4 =	vmul.f32 v4, v0;
	[tilespmem:s5+$0xFFFFFF90] =	vst v3;
	v3 =	vmov s17  }
0x309: {  	s9 =	sand.u32 $0xE, s13;
	v3 =	vperm.xlane v8, v3;
	v5 =	vmul.f32 v5, v7  }
0x30a: {  	[tilespmem:s0+$0xFFFFFFB0] =	vst v4;
	v11 =	vld [tilespmem:s7+$0xFFFFFFA0];
	v4 =	vmov s9;
	v9 =	vmul.f32 v9, v1  }
0x30b: {  	v12 =	vld [tilespmem:s1+$0xFFFFFFC0];
	v4 =	vperm.xlane v8, v4;
	v6 =	vmul.f32 v6, v3;
	[tilespmem:s0+$0x40] =	vst v5  }
0x30c: {  	s9 =	simm.s32 $0x17D80;
	[tilespmem:s5+$0x20] =	vst v9;
	v5 =	vld [tilespmem:s1+$0x50]  }
0x30d: {  	v8 =	vmul.f32 v10, v4;
	[tilespmem:s9+$0x0] =	vst v6;
	v6 =	vld [tilespmem:s7+$0x30]  }
0x30e: {  	v10 =	vld [tilespmem:s8+$0x10]  }
0x30f: {  	s12 =	simm.s32 $0x6;
	v9 =	vmul.f32 v11, v2;
	[tilespmem:s9+$0xFFFFFF80] =	vst v8  }
0x310: {  	s18 =	sand.u32 $0xF0, s12;
	v8 =	vmul.f32 v12, v0;
	v11 =	vld [tilespmem:s8+$0xFFFFFF90]  }
0x311: {  	v12 =	vld [tilespmem:s18+$0x4DC8];
	[tilespmem:s5+$0xFFFFFFA0] =	vst v9;
	v5 =	vmul.f32 v5, v7  }
0x312: {  	v9 =	vld [tilespmem:s7+$0xFFFFFFB0];
	[tilespmem:s0+$0xFFFFFFC0] =	vst v8;
	v6 =	vmul.f32 v6, v1  }
0x313: {  	v8 =	vld [tilespmem:s1+$0xFFFFFFD0];
	v10 =	vmul.f32 v10, v3;
	[tilespmem:s0+$0x50] =	vst v5  }
0x314: {  	[tilespmem:s5+$0x30] =	vst v6;
	v5 =	vld [tilespmem:s1+$0x60]  }
0x315: {  	[tilespmem:s9+$0x10] =	vst v10;
	v6 =	vld [tilespmem:s7+$0x40]  }
0x316: {  	s10 =	simm.s32 $0xB680;
	v10 =	vmul.f32 v11, v4;
	v11 =	vld [tilespmem:s8+$0x20]  }
0x317: {  	v13 =	vld [tilespmem:s10+$0x0];
	v9 =	vmul.f32 v9, v2  }
0x318: {  	s22 =	simm.s32 $0x7;
	[tilespmem:s9+$0xFFFFFF90] =	vst v10;
	v8 =	vmul.f32 v8, v0;
	v10 =	vld [tilespmem:s10+$0xFFFFFF80]  }
0x319: {  	v14 =	vmov s22;
	s31 =	sand.u32 $0xE, s12;
	[tilespmem:s5+$0xFFFFFFB0] =	vst v9;
	v9 =	vld [tilespmem:s8+$0xFFFFFFA0];
	v15 =	vmul.f32 v5, v7  }
0x31a: {  	v16 =	vmov s31;
	[tilespmem:s0+$0xFFFFFFD0] =	vst v8;
	v5 =	vperm.xlane v12, v14;
	v14 =	vld [tilespmem:s7+$0xFFFFFFC0];
	v8 =	vmul.f32 v6, v1  }
0x31b: {  	v6 =	vperm.xlane v12, v16;
	v63 =	vld [tilespmem:s1+$0xFFFFFFE0];
	v11 =	vmul.f32 v11, v3;
	[tilespmem:s0+$0x60] =	vst v15  }
0x31c: {  	v12 =	vmul.f32 v13, v5;
	[tilespmem:s5+$0x40] =	vst v8;
	v15 =	vld [tilespmem:s1+$0x70]  }
0x31d: {  	s11 =	simm.s32 $0x17E80;
	v10 =	vmul.f32 v10, v6;
	[tilespmem:s9+$0x20] =	vst v11;
	v8 =	vld [tilespmem:s7+$0x50]  }
0x31e: {  	v9 =	vmul.f32 v9, v4;
	[tilespmem:s11+$0x0] =	vst v12;
	v11 =	vld [tilespmem:s8+$0x30]  }
0x31f: {  	[tilespmem:s11+$0xFFFFFF80] =	vst v10;
	v13 =	vld [tilespmem:s10+$0x10];
	v14 =	vmul.f32 v14, v2  }
0x320: {  	v12 =	vld [tilespmem:s10+$0xFFFFFF90];
	[tilespmem:s9+$0xFFFFFFA0] =	vst v9;
	v9 =	vmul.f32 v63, v0  }
0x321: {  	v10 =	vld [tilespmem:s8+$0xFFFFFFB0];
	[tilespmem:s5+$0xFFFFFFC0] =	vst v14;
	v7 =	vmul.f32 v15, v7  }
.LBB2_16:
0x322: {  	v14 =	vld [tilespmem:s7+$0xFFFFFFD0];
	v8 =	vmul.f32 v8, v1;
	[tilespmem:s0+$0xFFFFFFE0] =	vst v9;
	s13 =	smov.u32 s12;
	s12 =	sadd.s32 $0x2, s12  }
0x323: {  	s16 =	sand.u32 $0xF0, s12;
	s17 =	sand.u32 $0xE, s12;
	v9 =	vmul.f32 v11, v3;
	v11 =	vld [tilespmem:s1+$0xFFFFFFF0];
	[tilespmem:s0+$0x70] =	vst v7;
	s1 =	smov.u32 s7  }
0x324: {  	p0 =	slt.u32 s12, $0xC6;
	s7 =	smov.u32 s8;
	s8 =	smov.u32 s10;
	v7 =	vld [tilespmem:s16+$0x4DC8];
	v15 =	vmov s17;
	v13 =	vmul.f32 v13, v5;
	[tilespmem:s5+$0x50] =	vst v8  }
0x325: {  	v8 =	vmul.f32 v12, v6;
	[tilespmem:s9+$0x30] =	vst v9;
	v9 =	vld [tilespmem:s1+$0x60]  }
0x326: {  	[tilespmem:s11+$0x10] =	vst v13;
	v10 =	vmul.f32 v10, v4;
	v12 =	vld [tilespmem:s7+$0x40]  }
0x327: {  	s10 =	sadd.s32 $0x100, s10;
	[tilespmem:s11+$0xFFFFFF90] =	vst v8;
	v8 =	vld [tilespmem:s8+$0x20];
	v13 =	vmul.f32 v14, v2  }
0x328: {  	v14 =	vld [tilespmem:s10+$0x0];
	[tilespmem:s9+$0xFFFFFFB0] =	vst v10;
	v10 =	vmul.f32 v11, v0;
	v0 =	vmovc v2;
	v2 =	vmov v4;
	v4 =	vmov v6  }
0x329: {  	s13 =	sadd.s32 $0x3, s13;
	v6 =	vperm.xlane v7, v15;
	v11 =	vld [tilespmem:s10+$0xFFFFFF80];
	[tilespmem:s5+$0xFFFFFFD0] =	vst v13  }
0x32a: {  	v13 =	vmov s13;
	v15 =	vld [tilespmem:s8+$0xFFFFFFA0];
	v9 =	vmul.f32 v9, v1;
	[tilespmem:s0+$0xFFFFFFF0] =	vst v10;
	s0 =	smov.u32 s5;
	s5 =	smov.u32 s9;
	s9 =	smov.u32 s11  }
0x32b: {  	v16 =	vperm.xlane v7, v13;
	v7 =	vld [tilespmem:s7+$0xFFFFFFC0];
	v10 =	vmul.f32 v12, v3  }
0x32c: {  	v8 =	vmul.f32 v8, v5;
	v17 =	vld [tilespmem:s1+$0xFFFFFFE0];
	[tilespmem:s0+$0x60] =	vst v9  }
0x32d: {  	v9 =	vmul.f32 v14, v16;
	[tilespmem:s5+$0x40] =	vst v10;
	v14 =	vld [tilespmem:s1+$0x70]  }
.Ltmp7:
0x32e: {  	s11 =	sadd.s32 $0x100, s11;
	v10 =	vmul.f32 v11, v6;
	[tilespmem:s9+$0x20] =	vst v8;
	v8 =	vld [tilespmem:s7+$0x50];
	(pc) =	sbr.rel @p0 .LBB2_16-.Ltmp7, $4  }
0x32f: {  	[tilespmem:s11+$0x0] =	vst v9;
	v9 =	vmul.f32 v15, v4;
	v11 =	vld [tilespmem:s8+$0x30]  }
0x330: {  	[tilespmem:s11+$0xFFFFFF80] =	vst v10;
	v13 =	vld [tilespmem:s10+$0x10];
	v7 =	vmul.f32 v7, v2  }
0x331: {  	v12 =	vld [tilespmem:s10+$0xFFFFFF90];
	[tilespmem:s9+$0xFFFFFFA0] =	vst v9;
	v9 =	vmul.f32 v17, v0  }
0x332: {  	v10 =	vld [tilespmem:s8+$0xFFFFFFB0];
	[tilespmem:s5+$0xFFFFFFC0] =	vst v7;
	v7 =	vmul.f32 v14, v1;
	v1 =	vmovc v3;
	v3 =	vmov v5;
	v5 =	vmov v16  }
0x333: {  	_ =	sdelay $0x1  }
0x334: {  	v13 =	vmul.f32 v13, v5  }
0x335: {  	v12 =	vmul.f32 v12, v6  }
0x336: {  	[tilespmem:s11+$0x10] =	vst v13  }
0x337: {  	[tilespmem:s11+$0xFFFFFF90] =	vst v12;
	v37 =	vld [tilespmem:s10+$0x20]  }
0x338: {  	v38 =	vld [tilespmem:s10+$0xFFFFFFA0];
	_ =	sdelay $0x3  }
0x339: {  	v12 =	vmul.f32 v37, v5  }
0x33a: {  	v13 =	vmul.f32 v38, v6  }
0x33b: {  	[tilespmem:s11+$0x20] =	vst v12  }
0x33c: {  	v12 =	vld [tilespmem:s10+$0x30];
	[tilespmem:s11+$0xFFFFFFA0] =	vst v13  }
0x33d: {  	v13 =	vld [tilespmem:s10+$0xFFFFFFB0];
	_ =	sdelay $0x1  }
0x33e: {  	v11 =	vmul.f32 v11, v3  }
0x33f: {  	v10 =	vmul.f32 v10, v4  }
0x340: {  	[tilespmem:s9+$0x30] =	vst v11;
	v39 =	vmul.f32 v12, v5  }
0x341: {  	v40 =	vld [tilespmem:s8+$0x40];
	[tilespmem:s9+$0xFFFFFFB0] =	vst v10;
	v41 =	vmul.f32 v13, v6  }
0x342: {  	v42 =	vld [tilespmem:s8+$0xFFFFFFC0];
	[tilespmem:s11+$0x30] =	vst v39  }
0x343: {  	v11 =	vld [tilespmem:s10+$0x40];
	[tilespmem:s11+$0xFFFFFFB0] =	vst v41  }
0x344: {  	v10 =	vld [tilespmem:s10+$0xFFFFFFC0];
	_ =	sdelay $0x1  }
0x345: {  	v12 =	vmul.f32 v40, v3  }
0x346: {  	v13 =	vmul.f32 v42, v4  }
0x347: {  	v14 =	vld [tilespmem:s7+$0xFFFFFFD0];
	[tilespmem:s9+$0x40] =	vst v12;
	v11 =	vmul.f32 v11, v5  }
0x348: {  	v12 =	vld [tilespmem:s8+$0x50];
	[tilespmem:s9+$0xFFFFFFC0] =	vst v13;
	v10 =	vmul.f32 v10, v6  }
0x349: {  	v13 =	vld [tilespmem:s8+$0xFFFFFFD0];
	[tilespmem:s11+$0x40] =	vst v11  }
0x34a: {  	v11 =	vld [tilespmem:s10+$0x50];
	[tilespmem:s11+$0xFFFFFFC0] =	vst v10  }
0x34b: {  	v8 =	vmul.f32 v8, v1;
	v10 =	vld [tilespmem:s10+$0xFFFFFFD0]  }
0x34c: {  	v14 =	vmul.f32 v14, v2  }
0x34d: {  	[tilespmem:s5+$0x50] =	vst v8;
	v43 =	vmul.f32 v12, v3  }
0x34e: {  	v44 =	vld [tilespmem:s7+$0x60];
	[tilespmem:s5+$0xFFFFFFD0] =	vst v14;
	v13 =	vmul.f32 v13, v4  }
0x34f: {  	v14 =	vld [tilespmem:s7+$0xFFFFFFE0];
	[tilespmem:s9+$0x50] =	vst v43;
	v45 =	vmul.f32 v11, v5  }
0x350: {  	v46 =	vld [tilespmem:s8+$0x60];
	[tilespmem:s9+$0xFFFFFFD0] =	vst v13;
	v10 =	vmul.f32 v10, v6  }
0x351: {  	v13 =	vld [tilespmem:s8+$0xFFFFFFE0];
	[tilespmem:s11+$0x50] =	vst v45  }
0x352: {  	v8 =	vld [tilespmem:s10+$0x60];
	[tilespmem:s11+$0xFFFFFFD0] =	vst v10  }
0x353: {  	v47 =	vmul.f32 v44, v1;
	v48 =	vld [tilespmem:s10+$0xFFFFFFE0]  }
0x354: {  	[tilespmem:s0+$0xFFFFFFE0] =	vst v9;
	v49 =	vmul.f32 v14, v2  }
0x355: {  	v50 =	vld [tilespmem:s1+$0xFFFFFFF0];
	[tilespmem:s5+$0x60] =	vst v47;
	v51 =	vmul.f32 v46, v3  }
0x356: {  	v52 =	vld [tilespmem:s7+$0x70];
	[tilespmem:s5+$0xFFFFFFE0] =	vst v49;
	v53 =	vmul.f32 v13, v4  }
0x357: {  	v54 =	vld [tilespmem:s7+$0xFFFFFFF0];
	[tilespmem:s9+$0x60] =	vst v51;
	v8 =	vmul.f32 v8, v5  }
0x358: {  	v10 =	vld [tilespmem:s8+$0x70];
	[tilespmem:s9+$0xFFFFFFE0] =	vst v53;
	v55 =	vmul.f32 v48, v6  }
0x359: {  	v56 =	vld [tilespmem:s8+$0xFFFFFFF0];
	[tilespmem:s11+$0x60] =	vst v8  }
0x35a: {  	v0 =	vmul.f32 v50, v0;
	v8 =	vld [tilespmem:s10+$0x70];
	[tilespmem:s11+$0xFFFFFFE0] =	vst v55  }
0x35b: {  	[tilespmem:s0+$0x70] =	vst v7;
	v57 =	vmul.f32 v52, v1;
	v58 =	vld [tilespmem:s10+$0xFFFFFFF0]  }
0x35c: {  	[tilespmem:s0+$0xFFFFFFF0] =	vst v0;
	v59 =	vmul.f32 v54, v2  }
0x35d: {  	[tilespmem:s5+$0x70] =	vst v57;
	v60 =	vmul.f32 v10, v3  }
0x35e: {  	[tilespmem:s5+$0xFFFFFFF0] =	vst v59;
	v61 =	vmul.f32 v56, v4  }
0x35f: {  	[tilespmem:s9+$0x70] =	vst v60;
	v62 =	vmul.f32 v8, v5  }
0x360: {  	[tilespmem:s9+$0xFFFFFFF0] =	vst v61;
	v63 =	vmul.f32 v58, v6  }
0x361: {  	[tilespmem:s11+$0x70] =	vst v62  }
0x362: {  	[tilespmem:s11+$0xFFFFFFF0] =	vst v63  }
0x363: {  	s0 =	rddreg [dreg:$0xc]  }
0x364: {  	[hbm4b:s0+s3] =	stream.linear.scatter [tilespmem:s26], [sflag:$0x4], $0x6400, $0x38;
	[tilespmem:$0x1DF00] =	vst v63  }
0x365: {  	_ =	swait.ge [sflag:s28], $0x6400  }
0x366: {  	[sflag:s28] =	ssyncset.done $0x0  }
0x367: {  	[sflag:s28] =	ssyncadd.s32 $0xFFFF9C00  }
0x368: {  	_ =	swait.ge [sflag:s29], $0x6400  }
0x369: {  	s30 =	sadd.s32 $0x1, s30;
	s31 =	rddreg [dreg:$0xd]  }
0x36a: {  	p0 =	sne.s32 s30, s31  }
.Ltmp8:
0x36b: {  	_ = 	snop;
	(pc) =	sbr.rel @p0 .LBB2_1-.Ltmp8, $3  }
0x36c: {  	_ =	sdelay $0x1  }
0x36d: {  	[sflag:s29] =	ssyncset.done $0x0  }
0x36e: {  	[sflag:s29] =	ssyncadd.s32 $0xFFFF9C00  }
0x36f: {  	_ =	sfence.sel $0x180000  }
0x370: {  	[bflag:$0x0] =	sbarrier.arrive $0xFFFF  }
0x371: {  	_ =	strace $0x90000047  }
0x372: {  	s0 =	stileid.u32;
	[bflag:$0x2] =	sbarrier.arrive $0xFFFF  }
0x373: {  	p0 =	sne.s32 s0, $0x0;
	s0 =	rddreg [dreg:$0x2]  }
0x374: {  	s0 =	sadd.s32 @!p0 $0x100000, s0  }
0x375: {  	[sflag:s0] =	ssyncadd.tile.s32 @!p0 $0x1;
	_ =	shalt  }
.Lfunc_end2:
_tile_overlayer_lowered:
.L_overlay_start_2:
0x376: {  	(tag) =	ssettag $0x2  }
0x377: {  	s0 =	rddreg [dreg:$0x0];
	s2 =	stileid.u32  }
0x378: {  	s1 =	rddreg [dreg:$0x1];
	p0 =	sne.s32 s2, $0x0  }
0x379: {  	s3 =	rddreg [dreg:$0x2];
	[bflag:$0x3] =	sbarrier.arrive $0xFFFF;
	s2 =	simm.s32 @!p0 $0x1C05  }
0x37a: {  	[timem:s3], [sflag:s2] =	dma.local @!p0 [hbm:s0], s1  }
0x37b: {  	s0 =	simm.s32 @!p0 $0x5  }
0x37c: {  	_ =	swait.ge @!p0 [sflag:s0], s1  }
0x37d: {  	s1 =	ssub.s32 @!p0 $0x0, s1;
	[sflag:s0] =	ssyncset.done @!p0 $0x0  }
0x37e: {  	[sflag:s0] =	ssyncadd.s32 @!p0 s1  }
0x37f: {  	[bflag:$0x3] =	sbarrier.arrive $0xFFFF  }
0x380: {  	_ =	shalt  }

</sc_bundles>
